<compile_context>
chip_gen: v7x
topology: tpu7x:2x2x1
jax: 0.10.2.dev20260603
libtpu: 0.0.44.dev20260713+nightly
codegen_flags: <defaults>
</compile_context>

<pallas_src>
import functools

import jax
import jax.numpy as jnp
from jax import lax
from jax.experimental import pallas as pl
from jax.experimental.pallas import tpu as pltpu
from jax.experimental.pallas import tpu_sc as plsc

N = 10000
NP = 10240
E = 320000
NC, NS = 2, 16
NW = NC * NS
L = 16
CE = 16000
BN = 2048
NBLK = NP // BN


@functools.lru_cache(maxsize=None)
def _make_agg(D: int, with_wsum: bool):
    dpw = D // NW
    CE = 16000 if D == 128 else 32000
    nchunks = E // CE
    ngroups = CE // L
    mesh = plsc.VectorSubcoreMesh(
        core_axis_name="c", subcore_axis_name="s", num_cores=NC, num_subcores=NS
    )
    out_type = [jax.ShapeDtypeStruct((D * NP,), jnp.float32)]
    scratch = [
        pltpu.VMEM((dpw * NP,), jnp.float32),
        pltpu.VMEM((dpw * NP,), jnp.float32),
        pltpu.VMEM((CE,), jnp.int32),
        pltpu.VMEM((CE,), jnp.float32),
    ]
    if with_wsum:
        out_type.append(jax.ShapeDtypeStruct((NP,), jnp.float32))
        scratch.append(pltpu.VMEM((NP,), jnp.float32))

    @functools.partial(
        pl.kernel, out_type=tuple(out_type), mesh=mesh, scratch_types=scratch,
        compiler_params=pltpu.CompilerParams(needs_layout_passes=False),
    )
    def agg(*refs):
        if with_wsum:
            (p_hbm, sd_hbm, w_hbm, out_hbm, wsum_hbm,
             pcols, ocols, sd_v, w_v, wacc) = refs
        else:
            (p_hbm, sd_hbm, w_hbm, out_hbm,
             pcols, ocols, sd_v, w_v) = refs
            wacc = None
        wid = lax.axis_index("s") * NC + lax.axis_index("c")
        base = wid * dpw * NP
        pltpu.sync_copy(p_hbm.at[pl.ds(base, dpw * NP)], pcols)

        zero = jnp.zeros((L,), jnp.float32)

        @plsc.parallel_loop(0, dpw * NP // L, unroll=8)
        def _(i):
            ocols[pl.ds(i * L, L)] = zero

        if with_wsum:
            @plsc.parallel_loop(0, NP // L, unroll=8)
            def _(i):
                wacc[pl.ds(i * L, L)] = zero

        def chunk_body(k, _):
            e0 = k * CE
            pltpu.sync_copy(sd_hbm.at[pl.ds(e0, CE)], sd_v)
            pltpu.sync_copy(w_hbm.at[pl.ds(e0, CE)], w_v)

            @plsc.parallel_loop(0, ngroups, unroll=4)
            def _(g):
                off = g * L
                sd = sd_v[pl.ds(off, L)]
                s = lax.bitwise_and(sd, jnp.int32(0x3FFF))
                d = lax.shift_right_logical(sd, jnp.int32(14))
                wv = w_v[pl.ds(off, L)]
                for c in range(dpw):
                    vals = plsc.load_gather(pcols, [s + (c * NP)])
                    plsc.addupdate_scatter(ocols, [d + (c * NP)], vals * wv)
                if with_wsum:
                    plsc.addupdate_scatter(wacc, [d], wv)

            return 0

        lax.fori_loop(0, nchunks, chunk_body, 0)

        pltpu.sync_copy(ocols, out_hbm.at[pl.ds(base, dpw * NP)])
        if with_wsum:
            @pl.when(wid == 0)
            def _():
                pltpu.sync_copy(wacc, wsum_hbm)

    return agg


def _agg_wsum(p, sd, w):
    D = p.shape[0]
    out, wsum = _make_agg(D, True)(p.reshape(-1), sd, w)
    return out.reshape(D, NP), wsum


def _agg(p, sd, w):
    D = p.shape[0]
    (out,) = _make_agg(D, False)(p.reshape(-1), sd, w)
    return out.reshape(D, NP)


def _proj(W, h):
    return lax.dot_general(
        W, h, (((0,), (0,)), ((), ())), preferred_element_type=jnp.float32
    )


def _combine(s, agg, winv, res, relu):
    t = s + agg * winv
    if relu:
        t = jnp.maximum(t, 0.0)
    if res is not None:
        t = t + res
    nrm = jnp.sqrt(jnp.sum(t * t, axis=0, keepdims=True))
    return t / jnp.maximum(nrm, 1e-12)


def _winv(wsum_blk):
    return 1.0 / jnp.maximum(wsum_blk[0], 1e-6)


def _bspec(d):
    return pl.BlockSpec((d, BN), lambda i: (0, i))


_WSPEC = pl.BlockSpec((1, 1, BN), lambda i: (i, 0, 0))


def _full(shape):
    return pl.BlockSpec(shape, lambda i: tuple(0 for _ in shape))


def _tc_first(xT, Ws, Wn, b2):
    din, dout = Ws.shape

    def body(x_ref, ws_ref, wn_ref, b_ref, s_ref, p_ref):
        h = x_ref[...]
        s_ref[...] = _proj(ws_ref[...], h) + b_ref[:, :1]
        p_ref[...] = _proj(wn_ref[...], h)

    return pl.pallas_call(
        body,
        grid=(NBLK,),
        in_specs=[_bspec(din), _full((din, dout)), _full((din, dout)),
                  _full((dout, 128))],
        out_specs=[_bspec(dout), _bspec(dout)],
        out_shape=[jax.ShapeDtypeStruct((dout, NP), jnp.float32)] * 2,
    )(xT, Ws, Wn, b2)


def _tc_mid(s, agg, wsum3, res, Ws, Wn, b2, relu, emit_h):
    din, dout = Ws.shape
    have_res = res is not None

    def body(*refs):
        if have_res:
            s_ref, a_ref, w_ref, r_ref, ws_ref, wn_ref, b_ref, *outs = refs
            rv = r_ref[...]
        else:
            s_ref, a_ref, w_ref, ws_ref, wn_ref, b_ref, *outs = refs
            rv = None
        h = _combine(s_ref[...], a_ref[...], _winv(w_ref[...]), rv, relu)
        outs[0][...] = _proj(ws_ref[...], h) + b_ref[:, :1]
        outs[1][...] = _proj(wn_ref[...], h)
        if emit_h:
            outs[2][...] = h

    in_specs = [_bspec(din), _bspec(din), _WSPEC]
    args = [s, agg, wsum3]
    if have_res:
        in_specs.append(_bspec(din))
        args.append(res)
    in_specs += [_full((din, dout)), _full((din, dout)), _full((dout, 128))]
    args += [Ws, Wn, b2]
    n_out = 3 if emit_h else 2
    out_specs = [_bspec(dout), _bspec(dout)] + ([_bspec(din)] if emit_h else [])
    out_shape = ([jax.ShapeDtypeStruct((dout, NP), jnp.float32)] * 2
                 + ([jax.ShapeDtypeStruct((din, NP), jnp.float32)] if emit_h else []))
    return pl.pallas_call(
        body, grid=(NBLK,), in_specs=in_specs, out_specs=out_specs,
        out_shape=out_shape,
    )(*args)


def _tc_last(s, agg, wsum3, res):
    d = s.shape[0]

    def body(s_ref, a_ref, w_ref, r_ref, o_ref):
        o_ref[...] = _combine(
            s_ref[...], a_ref[...], _winv(w_ref[...]), r_ref[...], relu=False
        )

    return pl.pallas_call(
        body,
        grid=(NBLK,),
        in_specs=[_bspec(d), _bspec(d), _WSPEC, _bspec(d)],
        out_specs=_bspec(d),
        out_shape=jax.ShapeDtypeStruct((d, NP), jnp.float32),
    )(s, agg, wsum3, res)


def kernel(x, edge_index, edge_weights, Ws0, Wn0, b0, Ws1, Wn1, b1, Ws2, Wn2, b2):
    xT = jnp.pad(x.T, ((0, 0), (0, NP - N)))
    src = edge_index[0].astype(jnp.int32)
    dst = edge_index[1].astype(jnp.int32)
    sd = src | (dst << 14)
    w = edge_weights.astype(jnp.float32)
    b0r = jnp.tile(b0[:, None], (1, 128))
    b1r = jnp.tile(b1[:, None], (1, 128))
    b2r = jnp.tile(b2[:, None], (1, 128))

    s0, p0 = _tc_first(xT, Ws0, Wn0, b0r)
    agg0, wsum = _agg_wsum(p0, sd, w)
    wsum3 = wsum.reshape(NBLK, 1, BN)
    s1, p1 = _tc_mid(s0, agg0, wsum3, xT, Ws1, Wn1, b1r, relu=True, emit_h=False)
    agg1 = _agg(p1, sd, w)
    s2, p2, h2 = _tc_mid(s1, agg1, wsum3, None, Ws2, Wn2, b2r, relu=True,
                         emit_h=True)
    agg2 = _agg(p2, sd, w)
    h3 = _tc_last(s2, agg2, wsum3, h2)
    return h3[:, :N].T

# --- scband reference (transcript-rebuilt; emitter-appended) ---
"""Pipeline reference for scband-graph-sage-29317446762862 (READ-ONLY COPY).

The authoritative reference and input builder live on the scoring server;
editing this copy changes nothing except your own understanding.
"""

import jax, jax.numpy as jnp
import numpy as np

N = 10000
E = 320000
LAYER_DIMS = [(128, 128), (128, 64), (64, 64)]


def setup_inputs(seed: int = 0) -> dict:
    key = jax.random.key(seed)
    ks = jax.random.split(key, 3 + 3 * len(LAYER_DIMS))
    inp = {}
    inp["x"] = jax.random.normal(ks[0], (N, 128), dtype=jnp.float32)
    inp["edge_index"] = jax.random.randint(ks[1], (2, E), 0, N)
    inp["edge_weights"] = jax.random.uniform(ks[2], (E,), dtype=jnp.float32)
    for i, (din, dout) in enumerate(LAYER_DIMS):
        scale = 1.0 / np.sqrt(din)
        inp[f"Ws{i}"] = jax.random.normal(ks[3 + 3 * i], (din, dout), dtype=jnp.float32) * scale
        inp[f"Wn{i}"] = jax.random.normal(ks[4 + 3 * i], (din, dout), dtype=jnp.float32) * scale
        inp[f"b{i}"] = jnp.zeros((dout,), dtype=jnp.float32)
    return inp


def _sage_forward(x, edge_weights, params, edge_index):
    # GraphSAGE with weighted-mean neighbor aggregation, residual connections
    # (when shapes match, per use_residual=True) and per-node L2 normalization
    # (per normalize=True). Dropout disabled (rate=0) and batch_norm disabled.
    src = edge_index[0]
    dst = edge_index[1]
    h = x
    n_layers = len(params)
    for i, (Ws, Wn, b) in enumerate(params):
        # gather source node features along edges (SparseCore gather)
        msg = h[src] * edge_weights[:, None]
        # weighted mean aggregation at destination nodes (SparseCore scatter-add)
        neigh_sum = jax.ops.segment_sum(msg, dst, num_segments=N)
        wsum = jax.ops.segment_sum(edge_weights, dst, num_segments=N)
        neigh = neigh_sum / jnp.clip(wsum, 1e-6, None)[:, None]
        h_new = h @ Ws + neigh @ Wn + b
        if i < n_layers - 1:
            h_new = jax.nn.relu(h_new)
        if h_new.shape == h.shape:
            h_new = h_new + h
        norm = jnp.linalg.norm(h_new, axis=-1, keepdims=True)
        h_new = h_new / jnp.clip(norm, 1e-12, None)
        h = h_new
    return h


def reference(x, edge_index, edge_weights, Ws0, Wn0, b0, Ws1, Wn1, b1, Ws2, Wn2, b2):
    params = [(Ws0, Wn0, b0), (Ws1, Wn1, b1), (Ws2, Wn2, b2)]
    return _sage_forward(x, edge_weights, params, edge_index)

if __name__ == "__main__":
    import jax
    _d = setup_inputs()
    print(jax.jit(kernel)(*tuple(_d.values())))

</pallas_src>

<mosaic_0001>
#map = affine_map<(d0, d1) -> (0)>
module attributes {stable_mosaic.version = 14 : i64} {
  func.func @agg(%arg0: i32, %arg1: i32, %arg2: memref<655360xf32, #tpu.memory_space<hbm>>, %arg3: memref<320000xi32, #tpu.memory_space<hbm>>, %arg4: memref<320000xf32, #tpu.memory_space<hbm>>, %arg5: memref<655360xf32, #tpu.memory_space<hbm>>, %arg6: memref<20480xf32, #tpu.memory_space<vmem>>, %arg7: memref<20480xf32, #tpu.memory_space<vmem>>, %arg8: memref<32000xi32, #tpu.memory_space<vmem>>, %arg9: memref<32000xf32, #tpu.memory_space<vmem>>) attributes {dimension_semantics = [#tpu.dimension_semantics<core_parallel>, #tpu.dimension_semantics<subcore_parallel>], iteration_bounds = array<i64: 2, 16>, scalar_prefetch = 0 : i64, scratch_operands = 4 : i64, tpu.core_type = #tpu.core_type<sc_vector_subcore>, window_params = [{transform_indices = #map}, {transform_indices = #map}, {transform_indices = #map}, {transform_indices = #map}]} {
    %mul3A = arith.constant 2 : i32
    %mul3A_0 = arith.muli %arg1, %mul3A : i32
    %add3A = arith.addi %mul3A_0, %arg0 : i32
    %mul3A_1 = arith.constant 2 : i32
    %mul3A_2 = arith.muli %add3A, %mul3A_1 : i32
    %mul3A_3 = arith.constant 10240 : i32
    %mul3A_4 = arith.muli %mul3A_2, %mul3A_3 : i32
    "tpu.region"() ({
      %run_scoped3A = tpu.sem_alloc : memref<!tpu.dma_semaphore, #tpu.memory_space<semaphore_mem>>
      %dma_start3A = tpu.memref_slice %arg2[%mul3A_4] : memref<655360xf32, #tpu.memory_space<hbm>> -> memref<20480xf32, #tpu.memory_space<hbm>>
      %dma_start3A_14 = tpu.memref_slice %arg2[%mul3A_4] : memref<655360xf32, #tpu.memory_space<hbm>> -> memref<20480xf32, #tpu.memory_space<hbm>>
      tpu.enqueue_dma source(%dma_start3A_14 : memref<20480xf32, #tpu.memory_space<hbm>>) target(%arg6 : memref<20480xf32, #tpu.memory_space<vmem>>) target_semaphore(%run_scoped3A : memref<!tpu.dma_semaphore, #tpu.memory_space<semaphore_mem>>)
      %dma_wait3A = tpu.memref_slice %arg2[%mul3A_4] : memref<655360xf32, #tpu.memory_space<hbm>> -> memref<20480xf32, #tpu.memory_space<hbm>>
      %dma_wait3A_15 = tpu.memref_slice %arg2[%mul3A_4] : memref<655360xf32, #tpu.memory_space<hbm>> -> memref<20480xf32, #tpu.memory_space<hbm>>
      tpu.wait_dma2 semaphore(%run_scoped3A : memref<!tpu.dma_semaphore, #tpu.memory_space<semaphore_mem>>) src(%dma_wait3A_15 : memref<20480xf32, #tpu.memory_space<hbm>>) dst(%arg6 : memref<20480xf32, #tpu.memory_space<vmem>>)
      tpu.yield
    }) : () -> ()
    %broadcast_in_dim3A = arith.constant 0.000000e+00 : f32
    %broadcast_in_dim3A_5 = vector.broadcast %broadcast_in_dim3A : f32 to vector<16xf32>
    %parallel_loop3A = arith.constant 0 : i32
    %parallel_loop3A_6 = arith.constant 1280 : i32
    %parallel_loop3A_7 = arith.constant 1 : i32
    scf.for %parallel_loop3A_14 = %parallel_loop3A to %parallel_loop3A_6 step %parallel_loop3A_7  : i32 {
      %parallel_loop3A_15 = arith.constant 16 : i32
      %parallel_loop3A_16 = arith.muli %parallel_loop3A_14, %parallel_loop3A_15 : i32
      %parallel_loop3A_17 = arith.index_cast %parallel_loop3A_16 : i32 to index
      %parallel_loop3A_18 = tpu.vector_load %arg7[%parallel_loop3A_17] {strides = array<i32>} : memref<20480xf32, #tpu.memory_space<vmem>>, vector<16xf32>,
      tpu.vector_store %arg7[%parallel_loop3A_17], %broadcast_in_dim3A_5 {strides = array<i32>} : memref<20480xf32, #tpu.memory_space<vmem>>, vector<16xf32>,
    } {sc.loop_unroll_factor = 8 : i64, sc.parallel_access}
    %scan3A = arith.constant 0 : i32
    %scan3A_8 = arith.constant 0 : i32
    %scan3A_9 = arith.constant 10 : i32
    %scan3A_10 = arith.addi %scan3A_8, %scan3A_9 : i32
    %scan3A_11 = arith.constant 1 : i32
    %scan3A_12 = scf.for %scan3A_14 = %scan3A_8 to %scan3A_10 step %scan3A_11 iter_args(%scan3A_15 = %scan3A) -> (i32)  : i32 {
      %mul3A_16 = arith.constant 32000 : i32
      %mul3A_17 = arith.muli %scan3A_14, %mul3A_16 : i32
      "tpu.region"() ({
        %run_scoped3A = tpu.sem_alloc : memref<!tpu.dma_semaphore, #tpu.memory_space<semaphore_mem>>
        %dma_start3A = tpu.memref_slice %arg3[%mul3A_17] : memref<320000xi32, #tpu.memory_space<hbm>> -> memref<32000xi32, #tpu.memory_space<hbm>>
        %dma_start3A_22 = tpu.memref_slice %arg3[%mul3A_17] : memref<320000xi32, #tpu.memory_space<hbm>> -> memref<32000xi32, #tpu.memory_space<hbm>>
        tpu.enqueue_dma source(%dma_start3A_22 : memref<32000xi32, #tpu.memory_space<hbm>>) target(%arg8 : memref<32000xi32, #tpu.memory_space<vmem>>) target_semaphore(%run_scoped3A : memref<!tpu.dma_semaphore, #tpu.memory_space<semaphore_mem>>)
        %dma_wait3A = tpu.memref_slice %arg3[%mul3A_17] : memref<320000xi32, #tpu.memory_space<hbm>> -> memref<32000xi32, #tpu.memory_space<hbm>>
        %dma_wait3A_23 = tpu.memref_slice %arg3[%mul3A_17] : memref<320000xi32, #tpu.memory_space<hbm>> -> memref<32000xi32, #tpu.memory_space<hbm>>
        tpu.wait_dma2 semaphore(%run_scoped3A : memref<!tpu.dma_semaphore, #tpu.memory_space<semaphore_mem>>) src(%dma_wait3A_23 : memref<32000xi32, #tpu.memory_space<hbm>>) dst(%arg8 : memref<32000xi32, #tpu.memory_space<vmem>>)
        tpu.yield
      }) : () -> ()
      "tpu.region"() ({
        %run_scoped3A = tpu.sem_alloc : memref<!tpu.dma_semaphore, #tpu.memory_space<semaphore_mem>>
        %dma_start3A = tpu.memref_slice %arg4[%mul3A_17] : memref<320000xf32, #tpu.memory_space<hbm>> -> memref<32000xf32, #tpu.memory_space<hbm>>
        %dma_start3A_22 = tpu.memref_slice %arg4[%mul3A_17] : memref<320000xf32, #tpu.memory_space<hbm>> -> memref<32000xf32, #tpu.memory_space<hbm>>
        tpu.enqueue_dma source(%dma_start3A_22 : memref<32000xf32, #tpu.memory_space<hbm>>) target(%arg9 : memref<32000xf32, #tpu.memory_space<vmem>>) target_semaphore(%run_scoped3A : memref<!tpu.dma_semaphore, #tpu.memory_space<semaphore_mem>>)
        %dma_wait3A = tpu.memref_slice %arg4[%mul3A_17] : memref<320000xf32, #tpu.memory_space<hbm>> -> memref<32000xf32, #tpu.memory_space<hbm>>
        %dma_wait3A_23 = tpu.memref_slice %arg4[%mul3A_17] : memref<320000xf32, #tpu.memory_space<hbm>> -> memref<32000xf32, #tpu.memory_space<hbm>>
        tpu.wait_dma2 semaphore(%run_scoped3A : memref<!tpu.dma_semaphore, #tpu.memory_space<semaphore_mem>>) src(%dma_wait3A_23 : memref<32000xf32, #tpu.memory_space<hbm>>) dst(%arg9 : memref<32000xf32, #tpu.memory_space<vmem>>)
        tpu.yield
      }) : () -> ()
      %parallel_loop3A_18 = arith.constant 0 : i32
      %parallel_loop3A_19 = arith.constant 2000 : i32
      %parallel_loop3A_20 = arith.constant 1 : i32
      scf.for %parallel_loop3A_22 = %parallel_loop3A_18 to %parallel_loop3A_19 step %parallel_loop3A_20  : i32 {
        %parallel_loop3A_23 = arith.constant 16 : i32
        %parallel_loop3A_24 = arith.muli %parallel_loop3A_22, %parallel_loop3A_23 : i32
        %parallel_loop3A_25 = arith.index_cast %parallel_loop3A_24 : i32 to index
        %parallel_loop3A_26 = tpu.vector_load %arg8[%parallel_loop3A_25] {strides = array<i32>} : memref<32000xi32, #tpu.memory_space<vmem>>, vector<16xi32>,
        %parallel_loop3A_27 = arith.constant 16383 : i32
        %parallel_loop3A_28 = vector.broadcast %parallel_loop3A_27 : i32 to vector<16xi32>
        %parallel_loop3A_29 = arith.andi %parallel_loop3A_26, %parallel_loop3A_28 : vector<16xi32>
        %parallel_loop3A_30 = arith.constant 14 : i32
        %parallel_loop3A_31 = vector.broadcast %parallel_loop3A_30 : i32 to vector<16xi32>
        %parallel_loop3A_32 = arith.shrui %parallel_loop3A_26, %parallel_loop3A_31 : vector<16xi32>
        %parallel_loop3A_33 = arith.index_cast %parallel_loop3A_24 : i32 to index
        %parallel_loop3A_34 = tpu.vector_load %arg9[%parallel_loop3A_33] {strides = array<i32>} : memref<32000xf32, #tpu.memory_space<vmem>>, vector<16xf32>,
        %parallel_loop3A_35 = arith.constant 0 : i32
        %parallel_loop3A_36 = vector.broadcast %parallel_loop3A_35 : i32 to vector<16xi32>
        %parallel_loop3A_37 = arith.addi %parallel_loop3A_29, %parallel_loop3A_36 : vector<16xi32>
        %parallel_loop3A_38 = tpu.vector_load_idx %arg6[%parallel_loop3A_37] : memref<20480xf32, #tpu.memory_space<vmem>>[vector<16xi32>], vector<16xf32>,
        %parallel_loop3A_39 = arith.constant 0 : i32
        %parallel_loop3A_40 = vector.broadcast %parallel_loop3A_39 : i32 to vector<16xi32>
        %parallel_loop3A_41 = arith.addi %parallel_loop3A_32, %parallel_loop3A_40 : vector<16xi32>
        %parallel_loop3A_42 = arith.mulf %parallel_loop3A_38, %parallel_loop3A_34 : vector<16xf32>
        tpu.vector_store_idx %arg7[%parallel_loop3A_41], %parallel_loop3A_42 {add = true} : memref<20480xf32, #tpu.memory_space<vmem>>[vector<16xi32>], vector<16xf32>,
        %parallel_loop3A_43 = arith.constant 10240 : i32
        %parallel_loop3A_44 = vector.broadcast %parallel_loop3A_43 : i32 to vector<16xi32>
        %parallel_loop3A_45 = arith.addi %parallel_loop3A_29, %parallel_loop3A_44 : vector<16xi32>
        %parallel_loop3A_46 = tpu.vector_load_idx %arg6[%parallel_loop3A_45] : memref<20480xf32, #tpu.memory_space<vmem>>[vector<16xi32>], vector<16xf32>,
        %parallel_loop3A_47 = arith.constant 10240 : i32
        %parallel_loop3A_48 = vector.broadcast %parallel_loop3A_47 : i32 to vector<16xi32>
        %parallel_loop3A_49 = arith.addi %parallel_loop3A_32, %parallel_loop3A_48 : vector<16xi32>
        %parallel_loop3A_50 = arith.mulf %parallel_loop3A_46, %parallel_loop3A_34 : vector<16xf32>
        tpu.vector_store_idx %arg7[%parallel_loop3A_49], %parallel_loop3A_50 {add = true} : memref<20480xf32, #tpu.memory_space<vmem>>[vector<16xi32>], vector<16xf32>,
      } {sc.loop_unroll_factor = 4 : i64, sc.parallel_access}
      %scan3A_21 = arith.constant 0 : i32
      scf.yield %scan3A_21 : i32
    }
    %scan3A_13 = arith.constant 10 : i32
    "tpu.region"() ({
      %run_scoped3A = tpu.sem_alloc : memref<!tpu.dma_semaphore, #tpu.memory_space<semaphore_mem>>
      %dma_start3A = tpu.memref_slice %arg5[%mul3A_4] : memref<655360xf32, #tpu.memory_space<hbm>> -> memref<20480xf32, #tpu.memory_space<hbm>>
      %dma_start3A_14 = tpu.memref_slice %arg5[%mul3A_4] : memref<655360xf32, #tpu.memory_space<hbm>> -> memref<20480xf32, #tpu.memory_space<hbm>>
      tpu.enqueue_dma source(%arg7 : memref<20480xf32, #tpu.memory_space<vmem>>) target(%dma_start3A_14 : memref<20480xf32, #tpu.memory_space<hbm>>) target_semaphore(%run_scoped3A : memref<!tpu.dma_semaphore, #tpu.memory_space<semaphore_mem>>)
      %dma_wait3A = tpu.memref_slice %arg5[%mul3A_4] : memref<655360xf32, #tpu.memory_space<hbm>> -> memref<20480xf32, #tpu.memory_space<hbm>>
      %dma_wait3A_15 = tpu.memref_slice %arg5[%mul3A_4] : memref<655360xf32, #tpu.memory_space<hbm>> -> memref<20480xf32, #tpu.memory_space<hbm>>
      tpu.wait_dma2 semaphore(%run_scoped3A : memref<!tpu.dma_semaphore, #tpu.memory_space<semaphore_mem>>) src(%arg7 : memref<20480xf32, #tpu.memory_space<vmem>>) dst(%dma_wait3A_15 : memref<20480xf32, #tpu.memory_space<hbm>>)
      tpu.yield
    }) : () -> ()
    return
  }
}

#map = affine_map<(d0, d1) -> (0)>
module attributes {stable_mosaic.version = 14 : i64} {
  func.func @agg(%arg0: i32, %arg1: i32, %arg2: memref<1310720xf32, #tpu.memory_space<hbm>>, %arg3: memref<320000xi32, #tpu.memory_space<hbm>>, %arg4: memref<320000xf32, #tpu.memory_space<hbm>>, %arg5: memref<1310720xf32, #tpu.memory_space<hbm>>, %arg6: memref<10240xf32, #tpu.memory_space<hbm>>, %arg7: memref<40960xf32, #tpu.memory_space<vmem>>, %arg8: memref<40960xf32, #tpu.memory_space<vmem>>, %arg9: memref<16000xi32, #tpu.memory_space<vmem>>, %arg10: memref<16000xf32, #tpu.memory_space<vmem>>, %arg11: memref<10240xf32, #tpu.memory_space<vmem>>) attributes {dimension_semantics = [#tpu.dimension_semantics<core_parallel>, #tpu.dimension_semantics<subcore_parallel>], iteration_bounds = array<i64: 2, 16>, scalar_prefetch = 0 : i64, scratch_operands = 5 : i64, tpu.core_type = #tpu.core_type<sc_vector_subcore>, window_params = [{transform_indices = #map}, {transform_indices = #map}, {transform_indices = #map}, {transform_indices = #map}, {transform_indices = #map}]} {
    %mul3A = arith.constant 2 : i32
    %mul3A_0 = arith.muli %arg1, %mul3A : i32
    %add3A = arith.addi %mul3A_0, %arg0 : i32
    %mul3A_1 = arith.constant 4 : i32
    %mul3A_2 = arith.muli %add3A, %mul3A_1 : i32
    %mul3A_3 = arith.constant 10240 : i32
    %mul3A_4 = arith.muli %mul3A_2, %mul3A_3 : i32
    "tpu.region"() ({
      %run_scoped3A = tpu.sem_alloc : memref<!tpu.dma_semaphore, #tpu.memory_space<semaphore_mem>>
      %dma_start3A = tpu.memref_slice %arg2[%mul3A_4] : memref<1310720xf32, #tpu.memory_space<hbm>> -> memref<40960xf32, #tpu.memory_space<hbm>>
      %dma_start3A_19 = tpu.memref_slice %arg2[%mul3A_4] : memref<1310720xf32, #tpu.memory_space<hbm>> -> memref<40960xf32, #tpu.memory_space<hbm>>
      tpu.enqueue_dma source(%dma_start3A_19 : memref<40960xf32, #tpu.memory_space<hbm>>) target(%arg7 : memref<40960xf32, #tpu.memory_space<vmem>>) target_semaphore(%run_scoped3A : memref<!tpu.dma_semaphore, #tpu.memory_space<semaphore_mem>>)
      %dma_wait3A = tpu.memref_slice %arg2[%mul3A_4] : memref<1310720xf32, #tpu.memory_space<hbm>> -> memref<40960xf32, #tpu.memory_space<hbm>>
      %dma_wait3A_20 = tpu.memref_slice %arg2[%mul3A_4] : memref<1310720xf32, #tpu.memory_space<hbm>> -> memref<40960xf32, #tpu.memory_space<hbm>>
      tpu.wait_dma2 semaphore(%run_scoped3A : memref<!tpu.dma_semaphore, #tpu.memory_space<semaphore_mem>>) src(%dma_wait3A_20 : memref<40960xf32, #tpu.memory_space<hbm>>) dst(%arg7 : memref<40960xf32, #tpu.memory_space<vmem>>)
      tpu.yield
    }) : () -> ()
    %broadcast_in_dim3A = arith.constant 0.000000e+00 : f32
    %broadcast_in_dim3A_5 = vector.broadcast %broadcast_in_dim3A : f32 to vector<16xf32>
    %parallel_loop3A = arith.constant 0 : i32
    %parallel_loop3A_6 = arith.constant 2560 : i32
    %parallel_loop3A_7 = arith.constant 1 : i32
    scf.for %parallel_loop3A_19 = %parallel_loop3A to %parallel_loop3A_6 step %parallel_loop3A_7  : i32 {
      %parallel_loop3A_20 = arith.constant 16 : i32
      %parallel_loop3A_21 = arith.muli %parallel_loop3A_19, %parallel_loop3A_20 : i32
      %parallel_loop3A_22 = arith.index_cast %parallel_loop3A_21 : i32 to index
      %parallel_loop3A_23 = tpu.vector_load %arg8[%parallel_loop3A_22] {strides = array<i32>} : memref<40960xf32, #tpu.memory_space<vmem>>, vector<16xf32>,
      tpu.vector_store %arg8[%parallel_loop3A_22], %broadcast_in_dim3A_5 {strides = array<i32>} : memref<40960xf32, #tpu.memory_space<vmem>>, vector<16xf32>,
    } {sc.loop_unroll_factor = 8 : i64, sc.parallel_access}
    %parallel_loop3A_8 = arith.constant 0 : i32
    %parallel_loop3A_9 = arith.constant 640 : i32
    %parallel_loop3A_10 = arith.constant 1 : i32
    scf.for %parallel_loop3A_19 = %parallel_loop3A_8 to %parallel_loop3A_9 step %parallel_loop3A_10  : i32 {
      %parallel_loop3A_20 = arith.constant 16 : i32
      %parallel_loop3A_21 = arith.muli %parallel_loop3A_19, %parallel_loop3A_20 : i32
      %parallel_loop3A_22 = arith.index_cast %parallel_loop3A_21 : i32 to index
      %parallel_loop3A_23 = tpu.vector_load %arg11[%parallel_loop3A_22] {strides = array<i32>} : memref<10240xf32, #tpu.memory_space<vmem>>, vector<16xf32>,
      tpu.vector_store %arg11[%parallel_loop3A_22], %broadcast_in_dim3A_5 {strides = array<i32>} : memref<10240xf32, #tpu.memory_space<vmem>>, vector<16xf32>,
    } {sc.loop_unroll_factor = 8 : i64, sc.parallel_access}
    %scan3A = arith.constant 0 : i32
    %scan3A_11 = arith.constant 0 : i32
    %scan3A_12 = arith.constant 20 : i32
    %scan3A_13 = arith.addi %scan3A_11, %scan3A_12 : i32
    %scan3A_14 = arith.constant 1 : i32
    %scan3A_15 = scf.for %scan3A_19 = %scan3A_11 to %scan3A_13 step %scan3A_14 iter_args(%scan3A_20 = %scan3A) -> (i32)  : i32 {
      %mul3A_21 = arith.constant 16000 : i32
      %mul3A_22 = arith.muli %scan3A_19, %mul3A_21 : i32
      "tpu.region"() ({
        %run_scoped3A = tpu.sem_alloc : memref<!tpu.dma_semaphore, #tpu.memory_space<semaphore_mem>>
        %dma_start3A = tpu.memref_slice %arg3[%mul3A_22] : memref<320000xi32, #tpu.memory_space<hbm>> -> memref<16000xi32, #tpu.memory_space<hbm>>
        %dma_start3A_27 = tpu.memref_slice %arg3[%mul3A_22] : memref<320000xi32, #tpu.memory_space<hbm>> -> memref<16000xi32, #tpu.memory_space<hbm>>
        tpu.enqueue_dma source(%dma_start3A_27 : memref<16000xi32, #tpu.memory_space<hbm>>) target(%arg9 : memref<16000xi32, #tpu.memory_space<vmem>>) target_semaphore(%run_scoped3A : memref<!tpu.dma_semaphore, #tpu.memory_space<semaphore_mem>>)
        %dma_wait3A = tpu.memref_slice %arg3[%mul3A_22] : memref<320000xi32, #tpu.memory_space<hbm>> -> memref<16000xi32, #tpu.memory_space<hbm>>
        %dma_wait3A_28 = tpu.memref_slice %arg3[%mul3A_22] : memref<320000xi32, #tpu.memory_space<hbm>> -> memref<16000xi32, #tpu.memory_space<hbm>>
        tpu.wait_dma2 semaphore(%run_scoped3A : memref<!tpu.dma_semaphore, #tpu.memory_space<semaphore_mem>>) src(%dma_wait3A_28 : memref<16000xi32, #tpu.memory_space<hbm>>) dst(%arg9 : memref<16000xi32, #tpu.memory_space<vmem>>)
        tpu.yield
      }) : () -> ()
      "tpu.region"() ({
        %run_scoped3A = tpu.sem_alloc : memref<!tpu.dma_semaphore, #tpu.memory_space<semaphore_mem>>
        %dma_start3A = tpu.memref_slice %arg4[%mul3A_22] : memref<320000xf32, #tpu.memory_space<hbm>> -> memref<16000xf32, #tpu.memory_space<hbm>>
        %dma_start3A_27 = tpu.memref_slice %arg4[%mul3A_22] : memref<320000xf32, #tpu.memory_space<hbm>> -> memref<16000xf32, #tpu.memory_space<hbm>>
        tpu.enqueue_dma source(%dma_start3A_27 : memref<16000xf32, #tpu.memory_space<hbm>>) target(%arg10 : memref<16000xf32, #tpu.memory_space<vmem>>) target_semaphore(%run_scoped3A : memref<!tpu.dma_semaphore, #tpu.memory_space<semaphore_mem>>)
        %dma_wait3A = tpu.memref_slice %arg4[%mul3A_22] : memref<320000xf32, #tpu.memory_space<hbm>> -> memref<16000xf32, #tpu.memory_space<hbm>>
        %dma_wait3A_28 = tpu.memref_slice %arg4[%mul3A_22] : memref<320000xf32, #tpu.memory_space<hbm>> -> memref<16000xf32, #tpu.memory_space<hbm>>
        tpu.wait_dma2 semaphore(%run_scoped3A : memref<!tpu.dma_semaphore, #tpu.memory_space<semaphore_mem>>) src(%dma_wait3A_28 : memref<16000xf32, #tpu.memory_space<hbm>>) dst(%arg10 : memref<16000xf32, #tpu.memory_space<vmem>>)
        tpu.yield
      }) : () -> ()
      %parallel_loop3A_23 = arith.constant 0 : i32
      %parallel_loop3A_24 = arith.constant 1000 : i32
      %parallel_loop3A_25 = arith.constant 1 : i32
      scf.for %parallel_loop3A_27 = %parallel_loop3A_23 to %parallel_loop3A_24 step %parallel_loop3A_25  : i32 {
        %parallel_loop3A_28 = arith.constant 16 : i32
        %parallel_loop3A_29 = arith.muli %parallel_loop3A_27, %parallel_loop3A_28 : i32
        %parallel_loop3A_30 = arith.index_cast %parallel_loop3A_29 : i32 to index
        %parallel_loop3A_31 = tpu.vector_load %arg9[%parallel_loop3A_30] {strides = array<i32>} : memref<16000xi32, #tpu.memory_space<vmem>>, vector<16xi32>,
        %parallel_loop3A_32 = arith.constant 16383 : i32
        %parallel_loop3A_33 = vector.broadcast %parallel_loop3A_32 : i32 to vector<16xi32>
        %parallel_loop3A_34 = arith.andi %parallel_loop3A_31, %parallel_loop3A_33 : vector<16xi32>
        %parallel_loop3A_35 = arith.constant 14 : i32
        %parallel_loop3A_36 = vector.broadcast %parallel_loop3A_35 : i32 to vector<16xi32>
        %parallel_loop3A_37 = arith.shrui %parallel_loop3A_31, %parallel_loop3A_36 : vector<16xi32>
        %parallel_loop3A_38 = arith.index_cast %parallel_loop3A_29 : i32 to index
        %parallel_loop3A_39 = tpu.vector_load %arg10[%parallel_loop3A_38] {strides = array<i32>} : memref<16000xf32, #tpu.memory_space<vmem>>, vector<16xf32>,
        %parallel_loop3A_40 = arith.constant 0 : i32
        %parallel_loop3A_41 = vector.broadcast %parallel_loop3A_40 : i32 to vector<16xi32>
        %parallel_loop3A_42 = arith.addi %parallel_loop3A_34, %parallel_loop3A_41 : vector<16xi32>
        %parallel_loop3A_43 = tpu.vector_load_idx %arg7[%parallel_loop3A_42] : memref<40960xf32, #tpu.memory_space<vmem>>[vector<16xi32>], vector<16xf32>,
        %parallel_loop3A_44 = arith.constant 0 : i32
        %parallel_loop3A_45 = vector.broadcast %parallel_loop3A_44 : i32 to vector<16xi32>
        %parallel_loop3A_46 = arith.addi %parallel_loop3A_37, %parallel_loop3A_45 : vector<16xi32>
        %parallel_loop3A_47 = arith.mulf %parallel_loop3A_43, %parallel_loop3A_39 : vector<16xf32>
        tpu.vector_store_idx %arg8[%parallel_loop3A_46], %parallel_loop3A_47 {add = true} : memref<40960xf32, #tpu.memory_space<vmem>>[vector<16xi32>], vector<16xf32>,
        %parallel_loop3A_48 = arith.constant 10240 : i32
        %parallel_loop3A_49 = vector.broadcast %parallel_loop3A_48 : i32 to vector<16xi32>
        %parallel_loop3A_50 = arith.addi %parallel_loop3A_34, %parallel_loop3A_49 : vector<16xi32>
        %parallel_loop3A_51 = tpu.vector_load_idx %arg7[%parallel_loop3A_50] : memref<40960xf32, #tpu.memory_space<vmem>>[vector<16xi32>], vector<16xf32>,
        %parallel_loop3A_52 = arith.constant 10240 : i32
        %parallel_loop3A_53 = vector.broadcast %parallel_loop3A_52 : i32 to vector<16xi32>
        %parallel_loop3A_54 = arith.addi %parallel_loop3A_37, %parallel_loop3A_53 : vector<16xi32>
        %parallel_loop3A_55 = arith.mulf %parallel_loop3A_51, %parallel_loop3A_39 : vector<16xf32>
        tpu.vector_store_idx %arg8[%parallel_loop3A_54], %parallel_loop3A_55 {add = true} : memref<40960xf32, #tpu.memory_space<vmem>>[vector<16xi32>], vector<16xf32>,
        %parallel_loop3A_56 = arith.constant 20480 : i32
        %parallel_loop3A_57 = vector.broadcast %parallel_loop3A_56 : i32 to vector<16xi32>
        %parallel_loop3A_58 = arith.addi %parallel_loop3A_34, %parallel_loop3A_57 : vector<16xi32>
        %parallel_loop3A_59 = tpu.vector_load_idx %arg7[%parallel_loop3A_58] : memref<40960xf32, #tpu.memory_space<vmem>>[vector<16xi32>], vector<16xf32>,
        %parallel_loop3A_60 = arith.constant 20480 : i32
        %parallel_loop3A_61 = vector.broadcast %parallel_loop3A_60 : i32 to vector<16xi32>
        %parallel_loop3A_62 = arith.addi %parallel_loop3A_37, %parallel_loop3A_61 : vector<16xi32>
        %parallel_loop3A_63 = arith.mulf %parallel_loop3A_59, %parallel_loop3A_39 : vector<16xf32>
        tpu.vector_store_idx %arg8[%parallel_loop3A_62], %parallel_loop3A_63 {add = true} : memref<40960xf32, #tpu.memory_space<vmem>>[vector<16xi32>], vector<16xf32>,
        %parallel_loop3A_64 = arith.constant 30720 : i32
        %parallel_loop3A_65 = vector.broadcast %parallel_loop3A_64 : i32 to vector<16xi32>
        %parallel_loop3A_66 = arith.addi %parallel_loop3A_34, %parallel_loop3A_65 : vector<16xi32>
        %parallel_loop3A_67 = tpu.vector_load_idx %arg7[%parallel_loop3A_66] : memref<40960xf32, #tpu.memory_space<vmem>>[vector<16xi32>], vector<16xf32>,
        %parallel_loop3A_68 = arith.constant 30720 : i32
        %parallel_loop3A_69 = vector.broadcast %parallel_loop3A_68 : i32 to vector<16xi32>
        %parallel_loop3A_70 = arith.addi %parallel_loop3A_37, %parallel_loop3A_69 : vector<16xi32>
        %parallel_loop3A_71 = arith.mulf %parallel_loop3A_67, %parallel_loop3A_39 : vector<16xf32>
        tpu.vector_store_idx %arg8[%parallel_loop3A_70], %parallel_loop3A_71 {add = true} : memref<40960xf32, #tpu.memory_space<vmem>>[vector<16xi32>], vector<16xf32>,
        tpu.vector_store_idx %arg11[%parallel_loop3A_37], %parallel_loop3A_39 {add = true} : memref<10240xf32, #tpu.memory_space<vmem>>[vector<16xi32>], vector<16xf32>,
      } {sc.loop_unroll_factor = 4 : i64, sc.parallel_access}
      %scan3A_26 = arith.constant 0 : i32
      scf.yield %scan3A_26 : i32
    }
    %scan3A_16 = arith.constant 20 : i32
    "tpu.region"() ({
      %run_scoped3A = tpu.sem_alloc : memref<!tpu.dma_semaphore, #tpu.memory_space<semaphore_mem>>
      %dma_start3A = tpu.memref_slice %arg5[%mul3A_4] : memref<1310720xf32, #tpu.memory_space<hbm>> -> memref<40960xf32, #tpu.memory_space<hbm>>
      %dma_start3A_19 = tpu.memref_slice %arg5[%mul3A_4] : memref<1310720xf32, #tpu.memory_space<hbm>> -> memref<40960xf32, #tpu.memory_space<hbm>>
      tpu.enqueue_dma source(%arg8 : memref<40960xf32, #tpu.memory_space<vmem>>) target(%dma_start3A_19 : memref<40960xf32, #tpu.memory_space<hbm>>) target_semaphore(%run_scoped3A : memref<!tpu.dma_semaphore, #tpu.memory_space<semaphore_mem>>)
      %dma_wait3A = tpu.memref_slice %arg5[%mul3A_4] : memref<1310720xf32, #tpu.memory_space<hbm>> -> memref<40960xf32, #tpu.memory_space<hbm>>
      %dma_wait3A_20 = tpu.memref_slice %arg5[%mul3A_4] : memref<1310720xf32, #tpu.memory_space<hbm>> -> memref<40960xf32, #tpu.memory_space<hbm>>
      tpu.wait_dma2 semaphore(%run_scoped3A : memref<!tpu.dma_semaphore, #tpu.memory_space<semaphore_mem>>) src(%arg8 : memref<40960xf32, #tpu.memory_space<vmem>>) dst(%dma_wait3A_20 : memref<40960xf32, #tpu.memory_space<hbm>>)
      tpu.yield
    }) : () -> ()
    %eq3A = arith.constant 0 : i32
    %eq3A_17 = arith.cmpi eq, %add3A, %eq3A : i32
    %convert_element_type3A = arith.extui %eq3A_17 : i1 to i32
    %cond3A = arith.constant 0 : i32
    %cond3A_18 = arith.cmpi ne, %convert_element_type3A, %cond3A : i32
    scf.if %cond3A_18 {
      "tpu.region"() ({
        %run_scoped3A = tpu.sem_alloc : memref<!tpu.dma_semaphore, #tpu.memory_space<semaphore_mem>>
        tpu.enqueue_dma source(%arg11 : memref<10240xf32, #tpu.memory_space<vmem>>) target(%arg6 : memref<10240xf32, #tpu.memory_space<hbm>>) target_semaphore(%run_scoped3A : memref<!tpu.dma_semaphore, #tpu.memory_space<semaphore_mem>>)
        tpu.wait_dma2 semaphore(%run_scoped3A : memref<!tpu.dma_semaphore, #tpu.memory_space<semaphore_mem>>) src(%arg11 : memref<10240xf32, #tpu.memory_space<vmem>>) dst(%arg6 : memref<10240xf32, #tpu.memory_space<hbm>>)
        tpu.yield
      }) : () -> ()
    } else {
    }
    return
  }
}

#map = affine_map<(d0, d1) -> (0)>
module attributes {stable_mosaic.version = 14 : i64} {
  func.func @agg(%arg0: i32, %arg1: i32, %arg2: memref<655360xf32, #tpu.memory_space<hbm>>, %arg3: memref<320000xi32, #tpu.memory_space<hbm>>, %arg4: memref<320000xf32, #tpu.memory_space<hbm>>, %arg5: memref<655360xf32, #tpu.memory_space<hbm>>, %arg6: memref<20480xf32, #tpu.memory_space<vmem>>, %arg7: memref<20480xf32, #tpu.memory_space<vmem>>, %arg8: memref<32000xi32, #tpu.memory_space<vmem>>, %arg9: memref<32000xf32, #tpu.memory_space<vmem>>) attributes {dimension_semantics = [#tpu.dimension_semantics<core_parallel>, #tpu.dimension_semantics<subcore_parallel>], iteration_bounds = array<i64: 2, 16>, scalar_prefetch = 0 : i64, scratch_operands = 4 : i64, tpu.core_type = #tpu.core_type<sc_vector_subcore>, window_params = [{transform_indices = #map}, {transform_indices = #map}, {transform_indices = #map}, {transform_indices = #map}]} {
    %mul3A = arith.constant 2 : i32
    %mul3A_0 = arith.muli %arg1, %mul3A : i32
    %add3A = arith.addi %mul3A_0, %arg0 : i32
    %mul3A_1 = arith.constant 2 : i32
    %mul3A_2 = arith.muli %add3A, %mul3A_1 : i32
    %mul3A_3 = arith.constant 10240 : i32
    %mul3A_4 = arith.muli %mul3A_2, %mul3A_3 : i32
    "tpu.region"() ({
      %run_scoped3A = tpu.sem_alloc : memref<!tpu.dma_semaphore, #tpu.memory_space<semaphore_mem>>
      %dma_start3A = tpu.memref_slice %arg2[%mul3A_4] : memref<655360xf32, #tpu.memory_space<hbm>> -> memref<20480xf32, #tpu.memory_space<hbm>>
      %dma_start3A_14 = tpu.memref_slice %arg2[%mul3A_4] : memref<655360xf32, #tpu.memory_space<hbm>> -> memref<20480xf32, #tpu.memory_space<hbm>>
      tpu.enqueue_dma source(%dma_start3A_14 : memref<20480xf32, #tpu.memory_space<hbm>>) target(%arg6 : memref<20480xf32, #tpu.memory_space<vmem>>) target_semaphore(%run_scoped3A : memref<!tpu.dma_semaphore, #tpu.memory_space<semaphore_mem>>)
      %dma_wait3A = tpu.memref_slice %arg2[%mul3A_4] : memref<655360xf32, #tpu.memory_space<hbm>> -> memref<20480xf32, #tpu.memory_space<hbm>>
      %dma_wait3A_15 = tpu.memref_slice %arg2[%mul3A_4] : memref<655360xf32, #tpu.memory_space<hbm>> -> memref<20480xf32, #tpu.memory_space<hbm>>
      tpu.wait_dma2 semaphore(%run_scoped3A : memref<!tpu.dma_semaphore, #tpu.memory_space<semaphore_mem>>) src(%dma_wait3A_15 : memref<20480xf32, #tpu.memory_space<hbm>>) dst(%arg6 : memref<20480xf32, #tpu.memory_space<vmem>>)
      tpu.yield
    }) : () -> ()
    %broadcast_in_dim3A = arith.constant 0.000000e+00 : f32
    %broadcast_in_dim3A_5 = vector.broadcast %broadcast_in_dim3A : f32 to vector<16xf32>
    %parallel_loop3A = arith.constant 0 : i32
    %parallel_loop3A_6 = arith.constant 1280 : i32
    %parallel_loop3A_7 = arith.constant 1 : i32
    scf.for %parallel_loop3A_14 = %parallel_loop3A to %parallel_loop3A_6 step %parallel_loop3A_7  : i32 {
      %parallel_loop3A_15 = arith.constant 16 : i32
      %parallel_loop3A_16 = arith.muli %parallel_loop3A_14, %parallel_loop3A_15 : i32
      %parallel_loop3A_17 = arith.index_cast %parallel_loop3A_16 : i32 to index
      %parallel_loop3A_18 = tpu.vector_load %arg7[%parallel_loop3A_17] {strides = array<i32>} : memref<20480xf32, #tpu.memory_space<vmem>>, vector<16xf32>,
      tpu.vector_store %arg7[%parallel_loop3A_17], %broadcast_in_dim3A_5 {strides = array<i32>} : memref<20480xf32, #tpu.memory_space<vmem>>, vector<16xf32>,
    } {sc.loop_unroll_factor = 8 : i64, sc.parallel_access}
    %scan3A = arith.constant 0 : i32
    %scan3A_8 = arith.constant 0 : i32
    %scan3A_9 = arith.constant 10 : i32
    %scan3A_10 = arith.addi %scan3A_8, %scan3A_9 : i32
    %scan3A_11 = arith.constant 1 : i32
    %scan3A_12 = scf.for %scan3A_14 = %scan3A_8 to %scan3A_10 step %scan3A_11 iter_args(%scan3A_15 = %scan3A) -> (i32)  : i32 {
      %mul3A_16 = arith.constant 32000 : i32
      %mul3A_17 = arith.muli %scan3A_14, %mul3A_16 : i32
      "tpu.region"() ({
        %run_scoped3A = tpu.sem_alloc : memref<!tpu.dma_semaphore, #tpu.memory_space<semaphore_mem>>
        %dma_start3A = tpu.memref_slice %arg3[%mul3A_17] : memref<320000xi32, #tpu.memory_space<hbm>> -> memref<32000xi32, #tpu.memory_space<hbm>>
        %dma_start3A_22 = tpu.memref_slice %arg3[%mul3A_17] : memref<320000xi32, #tpu.memory_space<hbm>> -> memref<32000xi32, #tpu.memory_space<hbm>>
        tpu.enqueue_dma source(%dma_start3A_22 : memref<32000xi32, #tpu.memory_space<hbm>>) target(%arg8 : memref<32000xi32, #tpu.memory_space<vmem>>) target_semaphore(%run_scoped3A : memref<!tpu.dma_semaphore, #tpu.memory_space<semaphore_mem>>)
        %dma_wait3A = tpu.memref_slice %arg3[%mul3A_17] : memref<320000xi32, #tpu.memory_space<hbm>> -> memref<32000xi32, #tpu.memory_space<hbm>>
        %dma_wait3A_23 = tpu.memref_slice %arg3[%mul3A_17] : memref<320000xi32, #tpu.memory_space<hbm>> -> memref<32000xi32, #tpu.memory_space<hbm>>
        tpu.wait_dma2 semaphore(%run_scoped3A : memref<!tpu.dma_semaphore, #tpu.memory_space<semaphore_mem>>) src(%dma_wait3A_23 : memref<32000xi32, #tpu.memory_space<hbm>>) dst(%arg8 : memref<32000xi32, #tpu.memory_space<vmem>>)
        tpu.yield
      }) : () -> ()
      "tpu.region"() ({
        %run_scoped3A = tpu.sem_alloc : memref<!tpu.dma_semaphore, #tpu.memory_space<semaphore_mem>>
        %dma_start3A = tpu.memref_slice %arg4[%mul3A_17] : memref<320000xf32, #tpu.memory_space<hbm>> -> memref<32000xf32, #tpu.memory_space<hbm>>
        %dma_start3A_22 = tpu.memref_slice %arg4[%mul3A_17] : memref<320000xf32, #tpu.memory_space<hbm>> -> memref<32000xf32, #tpu.memory_space<hbm>>
        tpu.enqueue_dma source(%dma_start3A_22 : memref<32000xf32, #tpu.memory_space<hbm>>) target(%arg9 : memref<32000xf32, #tpu.memory_space<vmem>>) target_semaphore(%run_scoped3A : memref<!tpu.dma_semaphore, #tpu.memory_space<semaphore_mem>>)
        %dma_wait3A = tpu.memref_slice %arg4[%mul3A_17] : memref<320000xf32, #tpu.memory_space<hbm>> -> memref<32000xf32, #tpu.memory_space<hbm>>
        %dma_wait3A_23 = tpu.memref_slice %arg4[%mul3A_17] : memref<320000xf32, #tpu.memory_space<hbm>> -> memref<32000xf32, #tpu.memory_space<hbm>>
        tpu.wait_dma2 semaphore(%run_scoped3A : memref<!tpu.dma_semaphore, #tpu.memory_space<semaphore_mem>>) src(%dma_wait3A_23 : memref<32000xf32, #tpu.memory_space<hbm>>) dst(%arg9 : memref<32000xf32, #tpu.memory_space<vmem>>)
        tpu.yield
      }) : () -> ()
      %parallel_loop3A_18 = arith.constant 0 : i32
      %parallel_loop3A_19 = arith.constant 2000 : i32
      %parallel_loop3A_20 = arith.constant 1 : i32
      scf.for %parallel_loop3A_22 = %parallel_loop3A_18 to %parallel_loop3A_19 step %parallel_loop3A_20  : i32 {
        %parallel_loop3A_23 = arith.constant 16 : i32
        %parallel_loop3A_24 = arith.muli %parallel_loop3A_22, %parallel_loop3A_23 : i32
        %parallel_loop3A_25 = arith.index_cast %parallel_loop3A_24 : i32 to index
        %parallel_loop3A_26 = tpu.vector_load %arg8[%parallel_loop3A_25] {strides = array<i32>} : memref<32000xi32, #tpu.memory_space<vmem>>, vector<16xi32>,
        %parallel_loop3A_27 = arith.constant 16383 : i32
        %parallel_loop3A_28 = vector.broadcast %parallel_loop3A_27 : i32 to vector<16xi32>
        %parallel_loop3A_29 = arith.andi %parallel_loop3A_26, %parallel_loop3A_28 : vector<16xi32>
        %parallel_loop3A_30 = arith.constant 14 : i32
        %parallel_loop3A_31 = vector.broadcast %parallel_loop3A_30 : i32 to vector<16xi32>
        %parallel_loop3A_32 = arith.shrui %parallel_loop3A_26, %parallel_loop3A_31 : vector<16xi32>
        %parallel_loop3A_33 = arith.index_cast %parallel_loop3A_24 : i32 to index
        %parallel_loop3A_34 = tpu.vector_load %arg9[%parallel_loop3A_33] {strides = array<i32>} : memref<32000xf32, #tpu.memory_space<vmem>>, vector<16xf32>,
        %parallel_loop3A_35 = arith.constant 0 : i32
        %parallel_loop3A_36 = vector.broadcast %parallel_loop3A_35 : i32 to vector<16xi32>
        %parallel_loop3A_37 = arith.addi %parallel_loop3A_29, %parallel_loop3A_36 : vector<16xi32>
        %parallel_loop3A_38 = tpu.vector_load_idx %arg6[%parallel_loop3A_37] : memref<20480xf32, #tpu.memory_space<vmem>>[vector<16xi32>], vector<16xf32>,
        %parallel_loop3A_39 = arith.constant 0 : i32
        %parallel_loop3A_40 = vector.broadcast %parallel_loop3A_39 : i32 to vector<16xi32>
        %parallel_loop3A_41 = arith.addi %parallel_loop3A_32, %parallel_loop3A_40 : vector<16xi32>
        %parallel_loop3A_42 = arith.mulf %parallel_loop3A_38, %parallel_loop3A_34 : vector<16xf32>
        tpu.vector_store_idx %arg7[%parallel_loop3A_41], %parallel_loop3A_42 {add = true} : memref<20480xf32, #tpu.memory_space<vmem>>[vector<16xi32>], vector<16xf32>,
        %parallel_loop3A_43 = arith.constant 10240 : i32
        %parallel_loop3A_44 = vector.broadcast %parallel_loop3A_43 : i32 to vector<16xi32>
        %parallel_loop3A_45 = arith.addi %parallel_loop3A_29, %parallel_loop3A_44 : vector<16xi32>
        %parallel_loop3A_46 = tpu.vector_load_idx %arg6[%parallel_loop3A_45] : memref<20480xf32, #tpu.memory_space<vmem>>[vector<16xi32>], vector<16xf32>,
        %parallel_loop3A_47 = arith.constant 10240 : i32
        %parallel_loop3A_48 = vector.broadcast %parallel_loop3A_47 : i32 to vector<16xi32>
        %parallel_loop3A_49 = arith.addi %parallel_loop3A_32, %parallel_loop3A_48 : vector<16xi32>
        %parallel_loop3A_50 = arith.mulf %parallel_loop3A_46, %parallel_loop3A_34 : vector<16xf32>
        tpu.vector_store_idx %arg7[%parallel_loop3A_49], %parallel_loop3A_50 {add = true} : memref<20480xf32, #tpu.memory_space<vmem>>[vector<16xi32>], vector<16xf32>,
      } {sc.loop_unroll_factor = 4 : i64, sc.parallel_access}
      %scan3A_21 = arith.constant 0 : i32
      scf.yield %scan3A_21 : i32
    }
    %scan3A_13 = arith.constant 10 : i32
    "tpu.region"() ({
      %run_scoped3A = tpu.sem_alloc : memref<!tpu.dma_semaphore, #tpu.memory_space<semaphore_mem>>
      %dma_start3A = tpu.memref_slice %arg5[%mul3A_4] : memref<655360xf32, #tpu.memory_space<hbm>> -> memref<20480xf32, #tpu.memory_space<hbm>>
      %dma_start3A_14 = tpu.memref_slice %arg5[%mul3A_4] : memref<655360xf32, #tpu.memory_space<hbm>> -> memref<20480xf32, #tpu.memory_space<hbm>>
      tpu.enqueue_dma source(%arg7 : memref<20480xf32, #tpu.memory_space<vmem>>) target(%dma_start3A_14 : memref<20480xf32, #tpu.memory_space<hbm>>) target_semaphore(%run_scoped3A : memref<!tpu.dma_semaphore, #tpu.memory_space<semaphore_mem>>)
      %dma_wait3A = tpu.memref_slice %arg5[%mul3A_4] : memref<655360xf32, #tpu.memory_space<hbm>> -> memref<20480xf32, #tpu.memory_space<hbm>>
      %dma_wait3A_15 = tpu.memref_slice %arg5[%mul3A_4] : memref<655360xf32, #tpu.memory_space<hbm>> -> memref<20480xf32, #tpu.memory_space<hbm>>
      tpu.wait_dma2 semaphore(%run_scoped3A : memref<!tpu.dma_semaphore, #tpu.memory_space<semaphore_mem>>) src(%arg7 : memref<20480xf32, #tpu.memory_space<vmem>>) dst(%dma_wait3A_15 : memref<20480xf32, #tpu.memory_space<hbm>>)
      tpu.yield
    }) : () -> ()
    return
  }
}

module attributes {stable_mosaic.version = 14 : i64} {
  func.func @body(%arg0: i32, %arg1: memref<128x2048xf32, #tpu.memory_space<vmem>>, %arg2: memref<128x128xf32, #tpu.memory_space<vmem>>, %arg3: memref<128x128xf32, #tpu.memory_space<vmem>>, %arg4: memref<128x128xf32, #tpu.memory_space<vmem>>, %arg5: memref<128x2048xf32, #tpu.memory_space<vmem>>, %arg6: memref<128x2048xf32, #tpu.memory_space<vmem>>) attributes {dimension_semantics = [#tpu.dimension_semantics<arbitrary>], iteration_bounds = array<i64: 5>, scalar_prefetch = 0 : i64, scratch_operands = 0 : i64, tpu.core_type = #tpu.core_type<tc>, window_params = [{transform_indices = @transform_0, window_bounds = array<i64: 128, 2048>}, {pipeline_mode = #tpu.pipeline_mode<synchronous>, transform_indices = @transform_1, window_bounds = array<i64: 128, 128>}, {pipeline_mode = #tpu.pipeline_mode<synchronous>, transform_indices = @transform_2, window_bounds = array<i64: 128, 128>}, {pipeline_mode = #tpu.pipeline_mode<synchronous>, transform_indices = @transform_3, window_bounds = array<i64: 128, 128>}, {transform_indices = @transform_4, window_bounds = array<i64: 128, 2048>}, {transform_indices = @transform_5, window_bounds = array<i64: 128, 2048>}]} {
    %get3A = arith.constant 0 : index
    %get3A_0 = arith.constant 0 : index
    %get3A_1 = vector.load %arg1[%get3A, %get3A_0] : memref<128x2048xf32, #tpu.memory_space<vmem>>, vector<128x2048xf32>
    %get3A_2 = arith.constant 0 : index
    %get3A_3 = arith.constant 0 : index
    %get3A_4 = vector.load %arg2[%get3A_2, %get3A_3] : memref<128x128xf32, #tpu.memory_space<vmem>>, vector<128x128xf32>
    %dot_general3A = arith.constant dense<0.000000e+00> : vector<128x2048xf32>
    %dot_general3A_5 = tpu.matmul %get3A_4, %get3A_1, %dot_general3A {dimension_numbers = #tpu.dot_dimension_numbers<[0], [0], [1], [1], [0, 1, 1, 1], [], []>, transpose_lhs_hint = false} : vector<128x128xf32>, vector<128x2048xf32>, vector<128x2048xf32> -> vector<128x2048xf32>
    %get3A_6 = arith.constant 0 : index
    %get3A_7 = arith.constant 0 : index
    %get3A_8 = vector.load %arg4[%get3A_6, %get3A_7] : memref<128x128xf32, #tpu.memory_space<vmem>>, vector<128x1xf32>
    %add3A = vector.broadcast %get3A_8 : vector<128x1xf32> to vector<128x2048xf32>
    %add3A_9 = arith.addf %dot_general3A_5, %add3A : vector<128x2048xf32>
    %swap3A = arith.constant 0 : index
    %swap3A_10 = arith.constant 0 : index
    %swap3A_11 = vector.load %arg5[%swap3A, %swap3A_10] : memref<128x2048xf32, #tpu.memory_space<vmem>>, vector<128x2048xf32>
    tpu.vector_store %arg5[%swap3A, %swap3A_10], %add3A_9 {strides = array<i32>} : memref<128x2048xf32, #tpu.memory_space<vmem>>, vector<128x2048xf32>,
    %get3A_12 = arith.constant 0 : index
    %get3A_13 = arith.constant 0 : index
    %get3A_14 = vector.load %arg3[%get3A_12, %get3A_13] : memref<128x128xf32, #tpu.memory_space<vmem>>, vector<128x128xf32>
    %dot_general3A_15 = arith.constant dense<0.000000e+00> : vector<128x2048xf32>
    %dot_general3A_16 = tpu.matmul %get3A_14, %get3A_1, %dot_general3A_15 {dimension_numbers = #tpu.dot_dimension_numbers<[0], [0], [1], [1], [0, 1, 1, 1], [], []>, transpose_lhs_hint = false} : vector<128x128xf32>, vector<128x2048xf32>, vector<128x2048xf32> -> vector<128x2048xf32>
    %swap3A_17 = arith.constant 0 : index
    %swap3A_18 = arith.constant 0 : index
    %swap3A_19 = vector.load %arg6[%swap3A_17, %swap3A_18] : memref<128x2048xf32, #tpu.memory_space<vmem>>, vector<128x2048xf32>
    tpu.vector_store %arg6[%swap3A_17, %swap3A_18], %dot_general3A_16 {strides = array<i32>} : memref<128x2048xf32, #tpu.memory_space<vmem>>, vector<128x2048xf32>,
    return
  }
  func.func @transform_0(%arg0: i32) -> (i32, i32) {
    %c0_i32 = arith.constant 0 : i32
    %c0_i32_0 = arith.constant 0 : i32
    return %c0_i32, %arg0 : i32, i32
  }
  func.func @transform_1(%arg0: i32) -> (i32, i32) {
    %c0_i32 = arith.constant 0 : i32
    %c0_i32_0 = arith.constant 0 : i32
    %c0_i32_1 = arith.constant 0 : i32
    return %c0_i32, %c0_i32_0 : i32, i32
  }
  func.func @transform_2(%arg0: i32) -> (i32, i32) {
    %c0_i32 = arith.constant 0 : i32
    %c0_i32_0 = arith.constant 0 : i32
    %c0_i32_1 = arith.constant 0 : i32
    return %c0_i32, %c0_i32_0 : i32, i32
  }
  func.func @transform_3(%arg0: i32) -> (i32, i32) {
    %c0_i32 = arith.constant 0 : i32
    %c0_i32_0 = arith.constant 0 : i32
    %c0_i32_1 = arith.constant 0 : i32
    return %c0_i32, %c0_i32_0 : i32, i32
  }
  func.func @transform_4(%arg0: i32) -> (i32, i32) {
    %c0_i32 = arith.constant 0 : i32
    %c0_i32_0 = arith.constant 0 : i32
    return %c0_i32, %arg0 : i32, i32
  }
  func.func @transform_5(%arg0: i32) -> (i32, i32) {
    %c0_i32 = arith.constant 0 : i32
    %c0_i32_0 = arith.constant 0 : i32
    return %c0_i32, %arg0 : i32, i32
  }
}

module attributes {stable_mosaic.version = 14 : i64} {
  func.func @body(%arg0: i32, %arg1: memref<128x2048xf32, #tpu.memory_space<vmem>>, %arg2: memref<128x2048xf32, #tpu.memory_space<vmem>>, %arg3: memref<1x1x2048xf32, #tpu.memory_space<vmem>>, %arg4: memref<128x2048xf32, #tpu.memory_space<vmem>>, %arg5: memref<128x64xf32, #tpu.memory_space<vmem>>, %arg6: memref<128x64xf32, #tpu.memory_space<vmem>>, %arg7: memref<64x128xf32, #tpu.memory_space<vmem>>, %arg8: memref<64x2048xf32, #tpu.memory_space<vmem>>, %arg9: memref<64x2048xf32, #tpu.memory_space<vmem>>) attributes {dimension_semantics = [#tpu.dimension_semantics<arbitrary>], iteration_bounds = array<i64: 5>, scalar_prefetch = 0 : i64, scratch_operands = 0 : i64, tpu.core_type = #tpu.core_type<tc>, window_params = [{transform_indices = @transform_0, window_bounds = array<i64: 128, 2048>}, {transform_indices = @transform_1, window_bounds = array<i64: 128, 2048>}, {transform_indices = @transform_2, window_bounds = array<i64: 1, 1, 2048>}, {transform_indices = @transform_3, window_bounds = array<i64: 128, 2048>}, {pipeline_mode = #tpu.pipeline_mode<synchronous>, transform_indices = @transform_4, window_bounds = array<i64: 128, 64>}, {pipeline_mode = #tpu.pipeline_mode<synchronous>, transform_indices = @transform_5, window_bounds = array<i64: 128, 64>}, {pipeline_mode = #tpu.pipeline_mode<synchronous>, transform_indices = @transform_6, window_bounds = array<i64: 64, 128>}, {transform_indices = @transform_7, window_bounds = array<i64: 64, 2048>}, {transform_indices = @transform_8, window_bounds = array<i64: 64, 2048>}]} {
    %get3A = arith.constant 0 : index
    %get3A_0 = arith.constant 0 : index
    %get3A_1 = vector.load %arg4[%get3A, %get3A_0] : memref<128x2048xf32, #tpu.memory_space<vmem>>, vector<128x2048xf32>
    %get3A_2 = arith.constant 0 : index
    %get3A_3 = arith.constant 0 : index
    %get3A_4 = vector.load %arg1[%get3A_2, %get3A_3] : memref<128x2048xf32, #tpu.memory_space<vmem>>, vector<128x2048xf32>
    %get3A_5 = arith.constant 0 : index
    %get3A_6 = arith.constant 0 : index
    %get3A_7 = vector.load %arg2[%get3A_5, %get3A_6] : memref<128x2048xf32, #tpu.memory_space<vmem>>, vector<128x2048xf32>
    %get3A_8 = arith.constant 0 : index
    %get3A_9 = arith.constant 0 : index
    %get3A_10 = arith.constant 0 : index
    %get3A_11 = vector.load %arg3[%get3A_8, %get3A_9, %get3A_10] : memref<1x1x2048xf32, #tpu.memory_space<vmem>>, vector<1x1x2048xf32>
    %squeeze3A = vector.shape_cast %get3A_11 : vector<1x1x2048xf32> to vector<1x2048xf32>
    %max3A = arith.constant 9.99999997E-7 : f32
    %max3A_12 = vector.broadcast %max3A : f32 to vector<1x2048xf32>
    %max3A_13 = arith.maximumf %squeeze3A, %max3A_12 : vector<1x2048xf32>
    %div3A = arith.constant 1.000000e+00 : f32
    %div3A_14 = vector.broadcast %div3A : f32 to vector<1x2048xf32>
    %div3A_15 = arith.divf %div3A_14, %max3A_13 : vector<1x2048xf32>
    %mul3A = vector.broadcast %div3A_15 : vector<1x2048xf32> to vector<128x2048xf32>
    %mul3A_16 = arith.mulf %get3A_7, %mul3A : vector<128x2048xf32>
    %add3A = arith.addf %get3A_4, %mul3A_16 : vector<128x2048xf32>
    %max3A_17 = arith.constant 0.000000e+00 : f32
    %max3A_18 = vector.broadcast %max3A_17 : f32 to vector<128x2048xf32>
    %max3A_19 = arith.maximumf %add3A, %max3A_18 : vector<128x2048xf32>
    %add3A_20 = arith.addf %max3A_19, %get3A_1 : vector<128x2048xf32>
    %mul3A_21 = arith.mulf %add3A_20, %add3A_20 : vector<128x2048xf32>
    %reduce_sum3A = arith.constant dense<0.000000e+00> : vector<2048xf32>
    %reduce_sum3A_22 = vector.multi_reduction <add>, %mul3A_21, %reduce_sum3A [0] : vector<128x2048xf32> to vector<2048xf32>
    %broadcast_in_dim3A = vector.shape_cast %reduce_sum3A_22 : vector<2048xf32> to vector<1x2048xf32>
    %sqrt3A = math.sqrt %broadcast_in_dim3A : vector<1x2048xf32>
    %max3A_23 = arith.constant 9.99999996E-13 : f32
    %max3A_24 = vector.broadcast %max3A_23 : f32 to vector<1x2048xf32>
    %max3A_25 = arith.maximumf %sqrt3A, %max3A_24 : vector<1x2048xf32>
    %div3A_26 = vector.broadcast %max3A_25 : vector<1x2048xf32> to vector<128x2048xf32>
    %div3A_27 = arith.divf %add3A_20, %div3A_26 : vector<128x2048xf32>
    %get3A_28 = arith.constant 0 : index
    %get3A_29 = arith.constant 0 : index
    %get3A_30 = vector.load %arg5[%get3A_28, %get3A_29] : memref<128x64xf32, #tpu.memory_space<vmem>>, vector<128x64xf32>
    %dot_general3A = arith.constant dense<0.000000e+00> : vector<64x2048xf32>
    %dot_general3A_31 = tpu.matmul %get3A_30, %div3A_27, %dot_general3A {dimension_numbers = #tpu.dot_dimension_numbers<[0], [0], [1], [1], [0, 1, 1, 1], [], []>, transpose_lhs_hint = false} : vector<128x64xf32>, vector<128x2048xf32>, vector<64x2048xf32> -> vector<64x2048xf32>
    %get3A_32 = arith.constant 0 : index
    %get3A_33 = arith.constant 0 : index
    %get3A_34 = vector.load %arg7[%get3A_32, %get3A_33] : memref<64x128xf32, #tpu.memory_space<vmem>>, vector<64x1xf32>
    %add3A_35 = vector.broadcast %get3A_34 : vector<64x1xf32> to vector<64x2048xf32>
    %add3A_36 = arith.addf %dot_general3A_31, %add3A_35 : vector<64x2048xf32>
    %swap3A = arith.constant 0 : index
    %swap3A_37 = arith.constant 0 : index
    %swap3A_38 = vector.load %arg8[%swap3A, %swap3A_37] : memref<64x2048xf32, #tpu.memory_space<vmem>>, vector<64x2048xf32>
    tpu.vector_store %arg8[%swap3A, %swap3A_37], %add3A_36 {strides = array<i32>} : memref<64x2048xf32, #tpu.memory_space<vmem>>, vector<64x2048xf32>,
    %get3A_39 = arith.constant 0 : index
    %get3A_40 = arith.constant 0 : index
    %get3A_41 = vector.load %arg6[%get3A_39, %get3A_40] : memref<128x64xf32, #tpu.memory_space<vmem>>, vector<128x64xf32>
    %dot_general3A_42 = arith.constant dense<0.000000e+00> : vector<64x2048xf32>
    %dot_general3A_43 = tpu.matmul %get3A_41, %div3A_27, %dot_general3A_42 {dimension_numbers = #tpu.dot_dimension_numbers<[0], [0], [1], [1], [0, 1, 1, 1], [], []>, transpose_lhs_hint = false} : vector<128x64xf32>, vector<128x2048xf32>, vector<64x2048xf32> -> vector<64x2048xf32>
    %swap3A_44 = arith.constant 0 : index
    %swap3A_45 = arith.constant 0 : index
    %swap3A_46 = vector.load %arg9[%swap3A_44, %swap3A_45] : memref<64x2048xf32, #tpu.memory_space<vmem>>, vector<64x2048xf32>
    tpu.vector_store %arg9[%swap3A_44, %swap3A_45], %dot_general3A_43 {strides = array<i32>} : memref<64x2048xf32, #tpu.memory_space<vmem>>, vector<64x2048xf32>,
    return
  }
  func.func @transform_0(%arg0: i32) -> (i32, i32) {
    %c0_i32 = arith.constant 0 : i32
    %c0_i32_0 = arith.constant 0 : i32
    return %c0_i32, %arg0 : i32, i32
  }
  func.func @transform_1(%arg0: i32) -> (i32, i32) {
    %c0_i32 = arith.constant 0 : i32
    %c0_i32_0 = arith.constant 0 : i32
    return %c0_i32, %arg0 : i32, i32
  }
  func.func @transform_2(%arg0: i32) -> (i32, i32, i32) {
    %c0_i32 = arith.constant 0 : i32
    %c0_i32_0 = arith.constant 0 : i32
    %c0_i32_1 = arith.constant 0 : i32
    return %arg0, %c0_i32, %c0_i32_0 : i32, i32, i32
  }
  func.func @transform_3(%arg0: i32) -> (i32, i32) {
    %c0_i32 = arith.constant 0 : i32
    %c0_i32_0 = arith.constant 0 : i32
    return %c0_i32, %arg0 : i32, i32
  }
  func.func @transform_4(%arg0: i32) -> (i32, i32) {
    %c0_i32 = arith.constant 0 : i32
    %c0_i32_0 = arith.constant 0 : i32
    %c0_i32_1 = arith.constant 0 : i32
    return %c0_i32, %c0_i32_0 : i32, i32
  }
  func.func @transform_5(%arg0: i32) -> (i32, i32) {
    %c0_i32 = arith.constant 0 : i32
    %c0_i32_0 = arith.constant 0 : i32
    %c0_i32_1 = arith.constant 0 : i32
    return %c0_i32, %c0_i32_0 : i32, i32
  }
  func.func @transform_6(%arg0: i32) -> (i32, i32) {
    %c0_i32 = arith.constant 0 : i32
    %c0_i32_0 = arith.constant 0 : i32
    %c0_i32_1 = arith.constant 0 : i32
    return %c0_i32, %c0_i32_0 : i32, i32
  }
  func.func @transform_7(%arg0: i32) -> (i32, i32) {
    %c0_i32 = arith.constant 0 : i32
    %c0_i32_0 = arith.constant 0 : i32
    return %c0_i32, %arg0 : i32, i32
  }
  func.func @transform_8(%arg0: i32) -> (i32, i32) {
    %c0_i32 = arith.constant 0 : i32
    %c0_i32_0 = arith.constant 0 : i32
    return %c0_i32, %arg0 : i32, i32
  }
}

module attributes {stable_mosaic.version = 14 : i64} {
  func.func @body(%arg0: i32, %arg1: memref<64x2048xf32, #tpu.memory_space<vmem>>, %arg2: memref<64x2048xf32, #tpu.memory_space<vmem>>, %arg3: memref<1x1x2048xf32, #tpu.memory_space<vmem>>, %arg4: memref<64x64xf32, #tpu.memory_space<vmem>>, %arg5: memref<64x64xf32, #tpu.memory_space<vmem>>, %arg6: memref<64x128xf32, #tpu.memory_space<vmem>>, %arg7: memref<64x2048xf32, #tpu.memory_space<vmem>>, %arg8: memref<64x2048xf32, #tpu.memory_space<vmem>>, %arg9: memref<64x2048xf32, #tpu.memory_space<vmem>>) attributes {dimension_semantics = [#tpu.dimension_semantics<arbitrary>], iteration_bounds = array<i64: 5>, scalar_prefetch = 0 : i64, scratch_operands = 0 : i64, tpu.core_type = #tpu.core_type<tc>, window_params = [{transform_indices = @transform_0, window_bounds = array<i64: 64, 2048>}, {transform_indices = @transform_1, window_bounds = array<i64: 64, 2048>}, {transform_indices = @transform_2, window_bounds = array<i64: 1, 1, 2048>}, {pipeline_mode = #tpu.pipeline_mode<synchronous>, transform_indices = @transform_3, window_bounds = array<i64: 64, 64>}, {pipeline_mode = #tpu.pipeline_mode<synchronous>, transform_indices = @transform_4, window_bounds = array<i64: 64, 64>}, {pipeline_mode = #tpu.pipeline_mode<synchronous>, transform_indices = @transform_5, window_bounds = array<i64: 64, 128>}, {transform_indices = @transform_6, window_bounds = array<i64: 64, 2048>}, {transform_indices = @transform_7, window_bounds = array<i64: 64, 2048>}, {transform_indices = @transform_8, window_bounds = array<i64: 64, 2048>}]} {
    %get3A = arith.constant 0 : index
    %get3A_0 = arith.constant 0 : index
    %get3A_1 = vector.load %arg1[%get3A, %get3A_0] : memref<64x2048xf32, #tpu.memory_space<vmem>>, vector<64x2048xf32>
    %get3A_2 = arith.constant 0 : index
    %get3A_3 = arith.constant 0 : index
    %get3A_4 = vector.load %arg2[%get3A_2, %get3A_3] : memref<64x2048xf32, #tpu.memory_space<vmem>>, vector<64x2048xf32>
    %get3A_5 = arith.constant 0 : index
    %get3A_6 = arith.constant 0 : index
    %get3A_7 = arith.constant 0 : index
    %get3A_8 = vector.load %arg3[%get3A_5, %get3A_6, %get3A_7] : memref<1x1x2048xf32, #tpu.memory_space<vmem>>, vector<1x1x2048xf32>
    %squeeze3A = vector.shape_cast %get3A_8 : vector<1x1x2048xf32> to vector<1x2048xf32>
    %max3A = arith.constant 9.99999997E-7 : f32
    %max3A_9 = vector.broadcast %max3A : f32 to vector<1x2048xf32>
    %max3A_10 = arith.maximumf %squeeze3A, %max3A_9 : vector<1x2048xf32>
    %div3A = arith.constant 1.000000e+00 : f32
    %div3A_11 = vector.broadcast %div3A : f32 to vector<1x2048xf32>
    %div3A_12 = arith.divf %div3A_11, %max3A_10 : vector<1x2048xf32>
    %mul3A = vector.broadcast %div3A_12 : vector<1x2048xf32> to vector<64x2048xf32>
    %mul3A_13 = arith.mulf %get3A_4, %mul3A : vector<64x2048xf32>
    %add3A = arith.addf %get3A_1, %mul3A_13 : vector<64x2048xf32>
    %max3A_14 = arith.constant 0.000000e+00 : f32
    %max3A_15 = vector.broadcast %max3A_14 : f32 to vector<64x2048xf32>
    %max3A_16 = arith.maximumf %add3A, %max3A_15 : vector<64x2048xf32>
    %mul3A_17 = arith.mulf %max3A_16, %max3A_16 : vector<64x2048xf32>
    %reduce_sum3A = arith.constant dense<0.000000e+00> : vector<2048xf32>
    %reduce_sum3A_18 = vector.multi_reduction <add>, %mul3A_17, %reduce_sum3A [0] : vector<64x2048xf32> to vector<2048xf32>
    %broadcast_in_dim3A = vector.shape_cast %reduce_sum3A_18 : vector<2048xf32> to vector<1x2048xf32>
    %sqrt3A = math.sqrt %broadcast_in_dim3A : vector<1x2048xf32>
    %max3A_19 = arith.constant 9.99999996E-13 : f32
    %max3A_20 = vector.broadcast %max3A_19 : f32 to vector<1x2048xf32>
    %max3A_21 = arith.maximumf %sqrt3A, %max3A_20 : vector<1x2048xf32>
    %div3A_22 = vector.broadcast %max3A_21 : vector<1x2048xf32> to vector<64x2048xf32>
    %div3A_23 = arith.divf %max3A_16, %div3A_22 : vector<64x2048xf32>
    %get3A_24 = arith.constant 0 : index
    %get3A_25 = arith.constant 0 : index
    %get3A_26 = vector.load %arg4[%get3A_24, %get3A_25] : memref<64x64xf32, #tpu.memory_space<vmem>>, vector<64x64xf32>
    %dot_general3A = arith.constant dense<0.000000e+00> : vector<64x2048xf32>
    %dot_general3A_27 = tpu.matmul %get3A_26, %div3A_23, %dot_general3A {dimension_numbers = #tpu.dot_dimension_numbers<[0], [0], [1], [1], [0, 1, 1, 1], [], []>, transpose_lhs_hint = false} : vector<64x64xf32>, vector<64x2048xf32>, vector<64x2048xf32> -> vector<64x2048xf32>
    %get3A_28 = arith.constant 0 : index
    %get3A_29 = arith.constant 0 : index
    %get3A_30 = vector.load %arg6[%get3A_28, %get3A_29] : memref<64x128xf32, #tpu.memory_space<vmem>>, vector<64x1xf32>
    %add3A_31 = vector.broadcast %get3A_30 : vector<64x1xf32> to vector<64x2048xf32>
    %add3A_32 = arith.addf %dot_general3A_27, %add3A_31 : vector<64x2048xf32>
    %swap3A = arith.constant 0 : index
    %swap3A_33 = arith.constant 0 : index
    %swap3A_34 = vector.load %arg7[%swap3A, %swap3A_33] : memref<64x2048xf32, #tpu.memory_space<vmem>>, vector<64x2048xf32>
    tpu.vector_store %arg7[%swap3A, %swap3A_33], %add3A_32 {strides = array<i32>} : memref<64x2048xf32, #tpu.memory_space<vmem>>, vector<64x2048xf32>,
    %get3A_35 = arith.constant 0 : index
    %get3A_36 = arith.constant 0 : index
    %get3A_37 = vector.load %arg5[%get3A_35, %get3A_36] : memref<64x64xf32, #tpu.memory_space<vmem>>, vector<64x64xf32>
    %dot_general3A_38 = arith.constant dense<0.000000e+00> : vector<64x2048xf32>
    %dot_general3A_39 = tpu.matmul %get3A_37, %div3A_23, %dot_general3A_38 {dimension_numbers = #tpu.dot_dimension_numbers<[0], [0], [1], [1], [0, 1, 1, 1], [], []>, transpose_lhs_hint = false} : vector<64x64xf32>, vector<64x2048xf32>, vector<64x2048xf32> -> vector<64x2048xf32>
    %swap3A_40 = arith.constant 0 : index
    %swap3A_41 = arith.constant 0 : index
    %swap3A_42 = vector.load %arg8[%swap3A_40, %swap3A_41] : memref<64x2048xf32, #tpu.memory_space<vmem>>, vector<64x2048xf32>
    tpu.vector_store %arg8[%swap3A_40, %swap3A_41], %dot_general3A_39 {strides = array<i32>} : memref<64x2048xf32, #tpu.memory_space<vmem>>, vector<64x2048xf32>,
    %swap3A_43 = arith.constant 0 : index
    %swap3A_44 = arith.constant 0 : index
    %swap3A_45 = vector.load %arg9[%swap3A_43, %swap3A_44] : memref<64x2048xf32, #tpu.memory_space<vmem>>, vector<64x2048xf32>
    tpu.vector_store %arg9[%swap3A_43, %swap3A_44], %div3A_23 {strides = array<i32>} : memref<64x2048xf32, #tpu.memory_space<vmem>>, vector<64x2048xf32>,
    return
  }
  func.func @transform_0(%arg0: i32) -> (i32, i32) {
    %c0_i32 = arith.constant 0 : i32
    %c0_i32_0 = arith.constant 0 : i32
    return %c0_i32, %arg0 : i32, i32
  }
  func.func @transform_1(%arg0: i32) -> (i32, i32) {
    %c0_i32 = arith.constant 0 : i32
    %c0_i32_0 = arith.constant 0 : i32
    return %c0_i32, %arg0 : i32, i32
  }
  func.func @transform_2(%arg0: i32) -> (i32, i32, i32) {
    %c0_i32 = arith.constant 0 : i32
    %c0_i32_0 = arith.constant 0 : i32
    %c0_i32_1 = arith.constant 0 : i32
    return %arg0, %c0_i32, %c0_i32_0 : i32, i32, i32
  }
  func.func @transform_3(%arg0: i32) -> (i32, i32) {
    %c0_i32 = arith.constant 0 : i32
    %c0_i32_0 = arith.constant 0 : i32
    %c0_i32_1 = arith.constant 0 : i32
    return %c0_i32, %c0_i32_0 : i32, i32
  }
  func.func @transform_4(%arg0: i32) -> (i32, i32) {
    %c0_i32 = arith.constant 0 : i32
    %c0_i32_0 = arith.constant 0 : i32
    %c0_i32_1 = arith.constant 0 : i32
    return %c0_i32, %c0_i32_0 : i32, i32
  }
  func.func @transform_5(%arg0: i32) -> (i32, i32) {
    %c0_i32 = arith.constant 0 : i32
    %c0_i32_0 = arith.constant 0 : i32
    %c0_i32_1 = arith.constant 0 : i32
    return %c0_i32, %c0_i32_0 : i32, i32
  }
  func.func @transform_6(%arg0: i32) -> (i32, i32) {
    %c0_i32 = arith.constant 0 : i32
    %c0_i32_0 = arith.constant 0 : i32
    return %c0_i32, %arg0 : i32, i32
  }
  func.func @transform_7(%arg0: i32) -> (i32, i32) {
    %c0_i32 = arith.constant 0 : i32
    %c0_i32_0 = arith.constant 0 : i32
    return %c0_i32, %arg0 : i32, i32
  }
  func.func @transform_8(%arg0: i32) -> (i32, i32) {
    %c0_i32 = arith.constant 0 : i32
    %c0_i32_0 = arith.constant 0 : i32
    return %c0_i32, %arg0 : i32, i32
  }
}

module attributes {stable_mosaic.version = 14 : i64} {
  func.func @body(%arg0: i32, %arg1: memref<64x2048xf32, #tpu.memory_space<vmem>>, %arg2: memref<64x2048xf32, #tpu.memory_space<vmem>>, %arg3: memref<1x1x2048xf32, #tpu.memory_space<vmem>>, %arg4: memref<64x2048xf32, #tpu.memory_space<vmem>>, %arg5: memref<64x2048xf32, #tpu.memory_space<vmem>>) attributes {dimension_semantics = [#tpu.dimension_semantics<arbitrary>], iteration_bounds = array<i64: 5>, scalar_prefetch = 0 : i64, scratch_operands = 0 : i64, tpu.core_type = #tpu.core_type<tc>, window_params = [{transform_indices = @transform_0, window_bounds = array<i64: 64, 2048>}, {transform_indices = @transform_1, window_bounds = array<i64: 64, 2048>}, {transform_indices = @transform_2, window_bounds = array<i64: 1, 1, 2048>}, {transform_indices = @transform_3, window_bounds = array<i64: 64, 2048>}, {transform_indices = @transform_4, window_bounds = array<i64: 64, 2048>}]} {
    %get3A = arith.constant 0 : index
    %get3A_0 = arith.constant 0 : index
    %get3A_1 = vector.load %arg1[%get3A, %get3A_0] : memref<64x2048xf32, #tpu.memory_space<vmem>>, vector<64x2048xf32>
    %get3A_2 = arith.constant 0 : index
    %get3A_3 = arith.constant 0 : index
    %get3A_4 = vector.load %arg2[%get3A_2, %get3A_3] : memref<64x2048xf32, #tpu.memory_space<vmem>>, vector<64x2048xf32>
    %get3A_5 = arith.constant 0 : index
    %get3A_6 = arith.constant 0 : index
    %get3A_7 = arith.constant 0 : index
    %get3A_8 = vector.load %arg3[%get3A_5, %get3A_6, %get3A_7] : memref<1x1x2048xf32, #tpu.memory_space<vmem>>, vector<1x1x2048xf32>
    %squeeze3A = vector.shape_cast %get3A_8 : vector<1x1x2048xf32> to vector<1x2048xf32>
    %max3A = arith.constant 9.99999997E-7 : f32
    %max3A_9 = vector.broadcast %max3A : f32 to vector<1x2048xf32>
    %max3A_10 = arith.maximumf %squeeze3A, %max3A_9 : vector<1x2048xf32>
    %div3A = arith.constant 1.000000e+00 : f32
    %div3A_11 = vector.broadcast %div3A : f32 to vector<1x2048xf32>
    %div3A_12 = arith.divf %div3A_11, %max3A_10 : vector<1x2048xf32>
    %get3A_13 = arith.constant 0 : index
    %get3A_14 = arith.constant 0 : index
    %get3A_15 = vector.load %arg4[%get3A_13, %get3A_14] : memref<64x2048xf32, #tpu.memory_space<vmem>>, vector<64x2048xf32>
    %mul3A = vector.broadcast %div3A_12 : vector<1x2048xf32> to vector<64x2048xf32>
    %mul3A_16 = arith.mulf %get3A_4, %mul3A : vector<64x2048xf32>
    %add3A = arith.addf %get3A_1, %mul3A_16 : vector<64x2048xf32>
    %add3A_17 = arith.addf %add3A, %get3A_15 : vector<64x2048xf32>
    %mul3A_18 = arith.mulf %add3A_17, %add3A_17 : vector<64x2048xf32>
    %reduce_sum3A = arith.constant dense<0.000000e+00> : vector<2048xf32>
    %reduce_sum3A_19 = vector.multi_reduction <add>, %mul3A_18, %reduce_sum3A [0] : vector<64x2048xf32> to vector<2048xf32>
    %broadcast_in_dim3A = vector.shape_cast %reduce_sum3A_19 : vector<2048xf32> to vector<1x2048xf32>
    %sqrt3A = math.sqrt %broadcast_in_dim3A : vector<1x2048xf32>
    %max3A_20 = arith.constant 9.99999996E-13 : f32
    %max3A_21 = vector.broadcast %max3A_20 : f32 to vector<1x2048xf32>
    %max3A_22 = arith.maximumf %sqrt3A, %max3A_21 : vector<1x2048xf32>
    %div3A_23 = vector.broadcast %max3A_22 : vector<1x2048xf32> to vector<64x2048xf32>
    %div3A_24 = arith.divf %add3A_17, %div3A_23 : vector<64x2048xf32>
    %swap3A = arith.constant 0 : index
    %swap3A_25 = arith.constant 0 : index
    %swap3A_26 = vector.load %arg5[%swap3A, %swap3A_25] : memref<64x2048xf32, #tpu.memory_space<vmem>>, vector<64x2048xf32>
    tpu.vector_store %arg5[%swap3A, %swap3A_25], %div3A_24 {strides = array<i32>} : memref<64x2048xf32, #tpu.memory_space<vmem>>, vector<64x2048xf32>,
    return
  }
  func.func @transform_0(%arg0: i32) -> (i32, i32) {
    %c0_i32 = arith.constant 0 : i32
    %c0_i32_0 = arith.constant 0 : i32
    return %c0_i32, %arg0 : i32, i32
  }
  func.func @transform_1(%arg0: i32) -> (i32, i32) {
    %c0_i32 = arith.constant 0 : i32
    %c0_i32_0 = arith.constant 0 : i32
    return %c0_i32, %arg0 : i32, i32
  }
  func.func @transform_2(%arg0: i32) -> (i32, i32, i32) {
    %c0_i32 = arith.constant 0 : i32
    %c0_i32_0 = arith.constant 0 : i32
    %c0_i32_1 = arith.constant 0 : i32
    return %arg0, %c0_i32, %c0_i32_0 : i32, i32, i32
  }
  func.func @transform_3(%arg0: i32) -> (i32, i32) {
    %c0_i32 = arith.constant 0 : i32
    %c0_i32_0 = arith.constant 0 : i32
    return %c0_i32, %arg0 : i32, i32
  }
  func.func @transform_4(%arg0: i32) -> (i32, i32) {
    %c0_i32 = arith.constant 0 : i32
    %c0_i32_0 = arith.constant 0 : i32
    return %c0_i32, %arg0 : i32, i32
  }
}

</mosaic_0001>

<sc_bundles>
// kernel: kernel.12.cloned.1.call-start
scs
__scs_entry_jumppad:
0x0: {  	(pc) =	sbr.rel $0x88, $3  }
0x1: {  	(tag) =	ssettag $0x0;
	lr =	simm.s32 $0x1  }
0x2: {  	[smem:$0x3F95] =	sst lr;
	_ =	strace $0xD0000000  }
0x3: {  	_ = 	snop  }
0x4: {  	_ = 	snop  }
0x5: {  	_ = 	snop  }
0x6: {  	_ = 	snop  }
0x7: {  	_ = 	snop  }
__scs_overlays_trampoline_lowered:
0x8: {  	[smem:$0x3FA4] =	sst s0  }
0x9: {  	[smem:$0x3FA5] =	sst s1  }
0xa: {  	[smem:$0x3FA6] =	sst s2  }
0xb: {  	[smem:$0x3FA7] =	sst s3  }
0xc: {  	[smem:$0x3FA8] =	sst s4  }
0xd: {  	[smem:$0x3FA9] =	sst s5  }
0xe: {  	[smem:$0x3FAA] =	sst s6  }
0xf: {  	[smem:$0x3FAB] =	sst s7  }
0x10: {  	[smem:$0x3FAC] =	sst s8  }
0x11: {  	[smem:$0x3FAD] =	sst s9;
	s0 =	simm.s32 @!p0 $0x0  }
0x12: {  	s1 =	sld [smem:$0x3F93];
	s0 =	simm.s32 @p0 $0x1  }
0x13: {  	[smem:$0x3FAE] =	sst s0;
	s0 =	simm.s32 @!p1 $0x0  }
0x14: {  	s2 =	sld [smem:$0x3F92];
	s0 =	simm.s32 @p1 $0x1  }
0x15: {  	[smem:$0x3FAF] =	sst s0;
	s0 =	simm.s32 @!p2 $0x0  }
0x16: {  	s3 =	sld [smem:$0x3FDB];
	s0 =	simm.s32 @p2 $0x1  }
0x17: {  	s4 =	simm.s32 $0x1BF5;
	[smem:$0x3FB1] =	sst s0  }
0x18: {  	s0 =	sld [smem:$0x3F94];
	_ =	swait.ge [sflag:s4], $0x0  }
0x19: {  	s7 =	sld [smem:$0x3F95]  }
0x1a: {  	s8 =	sadd.s32 $0xFFFFE003, lr  }
0x1b: {  	s9 =	sadd.s32 $0xFFFFFEF7, lr;
	s5 =	simm.s32 $0xFFFFFFFF;
	p2 =	slt.u32 s8, $0xFFFFF086  }
0x1c: {  	p1 =	slt.u32 s9, $0xF7A;
	s5 =	simm.s32 @!p2 $0x0  }
0x1d: {  	s5 =	simm.s32 @p1 $0x1;
	p0 =	seq.s32 s7, s2  }
0x1e: {  	s7 =	smul.u32 @!p0 $0xF7A, s2;
	p2 =	seq.s32 @!p0 s5, $0x0  }
0x1f: {  	s9 =	smul.u32 $0xF7A, s1;
	s8 =	simm.s32 @!p0 $0x1BF5;
	p2 =	por !p2, p0  }
0x20: {  	[sflag:s8] =	ssyncset.s32 @!p0 $0xFFFFF086;
	s6 =	sadd.s32 @!p0 s3, s7;
	s7 =	simm.s32 @!p0 $0x108  }
0x21: {  	s3 =	sadd.s32 s3, s9;
	s6 =	sadd.s32 @!p0 $0x88, s6;
	s7 =	simm.s32 @p2 $0x1082  }
0x22: {  	[simem:s7], [sflag:s8] =	dma.local @!p0 [hbm:s6], $0xF7A  }
0x23: {  	s9 =	sor.u32 $0xD0000000, s2;
	s6 =	simm.s32 $0x108;
	_ =	swait.ge @!p0 [sflag:s8], $0x0  }
0x24: {  	s3 =	sadd.s32 $0x88, s3;
	s6 =	simm.s32 @!p1 $0x1082;
	[sflag:s4] =	ssyncset.s32 $0xFFFFF086  }
0x25: {  	[simem:s6], [sflag:s4] =	dma.local [hbm:s3], $0xF7A  }
0x26: {  	[smem:$0x3F95] =	sst s1;
	(tag) =	ssettag s2;
	_ =	strace s9  }
0x27: {  	s1 =	sld [smem:$0x3FA5]  }
0x28: {  	s2 =	sld [smem:$0x3FA6]  }
0x29: {  	s4 =	sld [smem:$0x3FA8]  }
0x2a: {  	p0 =	seq.s32 s5, $0x0;
	s5 =	sld [smem:$0x3FA9]  }
0x2b: {  	s6 =	sld [smem:$0x3FAA]  }
0x2c: {  	s7 =	sld [smem:$0x3FAB]  }
0x2d: {  	s3 =	simm.s32 $0x108;
	s8 =	sld [smem:$0x3FAC]  }
0x2e: {  	s3 =	simm.s32 @!p0 $0x1082;
	s9 =	sld [smem:$0x3FAD]  }
0x2f: {  	lr =	sadd.s32 s0, s3;
	s0 =	sld [smem:$0x3FA4]  }
0x30: {  	s3 =	sld [smem:$0x3FA7]  }
0x31: {  	[smem:$0x3FB0] =	sst s10  }
0x32: {  	s10 =	sld [smem:$0x3FAE];
	_ =	sdelay $0x3  }
0x33: {  	p0 =	seq.s32 s10, $0x1;
	s10 =	sld [smem:$0x3FB0];
	_ =	sdelay $0x3  }
0x34: {  	[smem:$0x3FB0] =	sst s10  }
0x35: {  	s10 =	sld [smem:$0x3FAF];
	_ =	sdelay $0x3  }
0x36: {  	p1 =	seq.s32 s10, $0x1;
	s10 =	sld [smem:$0x3FB0];
	_ =	sdelay $0x3  }
0x37: {  	[smem:$0x3FB0] =	sst s10  }
0x38: {  	s10 =	sld [smem:$0x3FB1]  }
0x39: {  	_ = 	snop;
	(pc) =	sbr.ind lr, $3  }
0x3a: {  	_ = 	snop  }
0x3b: {  	_ = 	snop  }
0x3c: {  	p2 =	seq.s32 s10, $0x1;
	s10 =	sld [smem:$0x3FB0]  }
0x3d: {  	_ =	shalt  }
0x3e: {  	_ =	shalt  }
0x3f: {  	_ =	shalt  }
0x40: {  	_ =	shalt  }
0x41: {  	_ =	shalt  }
0x42: {  	_ =	shalt  }
0x43: {  	_ =	shalt  }
0x44: {  	_ =	shalt  }
0x45: {  	_ =	shalt  }
0x46: {  	_ =	shalt  }
0x47: {  	_ =	shalt  }
0x48: {  	_ =	shalt  }
0x49: {  	_ =	shalt  }
0x4a: {  	_ =	shalt  }
0x4b: {  	_ =	shalt  }
0x4c: {  	_ =	shalt  }
0x4d: {  	_ =	shalt  }
0x4e: {  	_ =	shalt  }
0x4f: {  	_ =	shalt  }
0x50: {  	_ =	shalt  }
0x51: {  	_ =	shalt  }
0x52: {  	_ =	shalt  }
0x53: {  	_ =	shalt  }
0x54: {  	_ =	shalt  }
0x55: {  	_ =	shalt  }
0x56: {  	_ =	shalt  }
0x57: {  	_ =	shalt  }
0x58: {  	_ =	shalt  }
0x59: {  	_ =	shalt  }
0x5a: {  	_ =	shalt  }
0x5b: {  	_ =	shalt  }
0x5c: {  	_ =	shalt  }
0x5d: {  	_ =	shalt  }
0x5e: {  	_ =	shalt  }
0x5f: {  	_ =	shalt  }
0x60: {  	_ =	shalt  }
0x61: {  	_ =	shalt  }
0x62: {  	_ =	shalt  }
0x63: {  	_ =	shalt  }
0x64: {  	_ =	shalt  }
0x65: {  	_ =	shalt  }
0x66: {  	_ =	shalt  }
0x67: {  	_ =	shalt  }
0x68: {  	_ =	shalt  }
0x69: {  	_ =	shalt  }
0x6a: {  	_ =	shalt  }
0x6b: {  	_ =	shalt  }
0x6c: {  	_ =	shalt  }
0x6d: {  	_ =	shalt  }
0x6e: {  	_ =	shalt  }
0x6f: {  	_ =	shalt  }
0x70: {  	_ =	shalt  }
0x71: {  	_ =	shalt  }
0x72: {  	_ =	shalt  }
0x73: {  	_ =	shalt  }
0x74: {  	_ =	shalt  }
0x75: {  	_ =	shalt  }
0x76: {  	_ =	shalt  }
0x77: {  	_ =	shalt  }
0x78: {  	_ =	shalt  }
0x79: {  	_ =	shalt  }
0x7a: {  	_ =	shalt  }
0x7b: {  	_ =	shalt  }
0x7c: {  	_ =	shalt  }
0x7d: {  	_ =	shalt  }
0x7e: {  	_ =	shalt  }
0x7f: {  	_ =	shalt  }
0x80: {  	_ =	shalt  }
0x81: {  	_ =	shalt  }
0x82: {  	_ =	shalt  }
0x83: {  	_ =	shalt  }
0x84: {  	_ =	shalt  }
0x85: {  	_ =	shalt  }
0x86: {  	_ =	shalt  }
0x87: {  	_ =	shalt  }
.Lfunc_end0:
.L_simem_size_0:
called_computation.1_lowered:
.L_overlay_start_0:
0x88: {  	s2 =	sld [smem:$0x3FD9]  }
0x89: {  	s3 =	sld [smem:$0x3FFE];
	_ =	sdelay $0x1  }
0x8a: {  	s1 =	srdreg.scid  }
0x8b: {  	s0 =	sand.u32 $0x1, s1  }
0x8c: {  	s17 =	sshll.u32 s0, $0xA;
	s2 =	sadd.s32 s3, s2  }
0x8d: {  	s2 =	sadd.s32 s2, s17  }
0x8e: {  	[smem:$0x3FBC] =	sst s2  }
0x8f: {  	_ = 	snop  }
0x90: {  	s2 =	sld [smem:$0x3FC7]  }
0x91: {  	s18 =	sld [smem:$0x3FD0];
	(tm) =	ssettm $0x1  }
0x92: {  	s4 =	sld [smem:$0x3FFB];
	_ =	sdelay $0x3  }
0x93: {  	_ =	strace s4  }
0x94: {  	s4 =	sld [smem:$0x3FFC];
	_ =	sdelay $0x3  }
0x95: {  	_ =	strace s4  }
0x96: {  	s4 =	sld [smem:$0x3FFD];
	_ =	sdelay $0x3  }
0x97: {  	_ =	strace s4  }
0x98: {  	_ =	strace $0x8FFFFFFF  }
0x99: {  	s19 =	sld [smem:$0x3FDB];
	_ =	sdelay $0x1  }
0x9a: {  	s5 =	simm.s32 $_scs_section_size  }
0x9b: {  	s6 =	simm.s32 $_size__tile_overlayer_lowered;
	s7 =	simm.s32 $_tile_overlayer_lowered  }
0x9c: {  	s22 =	simm.s32 $0x1BFF;
	s21 =	sshll.u32 s7, $0x1;
	s4 =	sadd.s32 s5, s19  }
0x9d: {  	s8 =	simm.s32 $0x0;
	s20 =	sshll.u32 s6, $0x1;
	s6 =	sadd.s32 s21, s4  }
0x9e: {  	[timem:s8], [sflag:s22] =	dma.local [hbm:s6], s20  }
0x9f: {  	_ =	swait.ge [sflag:s22], s20  }
0xa0: {  	s5 =	ssub.s32 $0x0, s20;
	[sflag:s22] =	ssyncset.done $0x0  }
0xa1: {  	[sflag:s22] =	ssyncadd.s32 s5;
	_ =	sdelay $0x1  }
0xa2: {  	s23 =	simm.s32 $0x1B8B  }
0xa3: {  	_ =	swait.ge [sflag:s23], $0x1  }
0xa4: {  	[sflag:s23] =	ssyncset.done $0x0  }
0xa5: {  	s25 =	simm.s32 $0x1B8E;
	s24 =	sld [smem:$0x3FFE];
	[sflag:s23] =	ssyncadd.s32 $0xFFFFFFFF  }
0xa6: {  	s26 =	simm.s32 $execute0_lowered;
	[smem:$0x3FD2] =	sst s25  }
0xa7: {  	s6 =	sshll.u32 s26, $0x1;
	_ =	strace $0x80000049;
	[dreg:$0x1] =	wrdreg $0xFFFFFFFF  }
0xa8: {  	s28 =	simm.s32 $_size_execute0_lowered;
	s4 =	sadd.s32 s4, s6;
	[dreg:$0x0] =	wrdreg $0x0  }
0xa9: {  	s6 =	sshll.u32 s28, $0x1;
	[dreg:$0x2] =	wrdreg s4  }
0xaa: {  	[dreg:$0x3] =	wrdreg s6  }
0xab: {  	[dreg:$0x4] =	wrdreg $0xC0  }
0xac: {  	_ =	task [dreg:s8], $0x5FFFF  }
0xad: {  	[dreg:$0x1] =	wrdreg $0xFFFFFFFF  }
0xae: {  	[dreg:$0x0] =	wrdreg $0x60  }
0xaf: {  	[dreg:$0x2] =	wrdreg s24  }
0xb0: {  	[dreg:$0x3] =	wrdreg s18  }
0xb1: {  	[dreg:$0x4] =	wrdreg s2  }
0xb2: {  	[dreg:$0x5] =	wrdreg $0x9  }
0xb3: {  	_ =	task.clear_ibuf [dreg:s8], $0x6FFFF;
	_ =	strace $0x90000049  }
0xb4: {  	s29 =	simm.s32 $0x9;
	_ =	strace $0x8000004B  }
0xb5: {  	_ =	swait.ge [sflag:s29], $0x1  }
0xb6: {  	[sflag:s29] =	ssyncadd.s32 $0xFFFFFFFF  }
0xb7: {  	_ =	strace $0x9000004B  }
0xb8: {  	_ =	sfence  }
0xb9: {  	s30 =	sld [smem:$0x0];
	_ =	sdelay $0x2  }
0xba: {  	s31 =	sshll.u32 s1, $0xD;
	s1 =	sshrl.u32 s1, $0x2  }
0xbb: {  	s3 =	sand.u32 $0x4000, s31;
	s1 =	sadd.s32 s1, s30  }
0xbc: {  	s0 =	sor.u32 s3, s0;
	s1 =	sshll.u32 s1, $0x11  }
0xbd: {  	s0 =	sor.u32 s1, s0  }
0xbe: {  	s0 =	sadd.s32 $0x8F2B, s0  }
0xbf: {  	[sflag:s0] =	ssyncadd.remote.s32 $0x1  }
0xc0: {  	_ =	sfence.sel $0xFFFF  }
0xc1: {  	[dreg:$0x0] =	wrdreg $0xFFFFFFFF;
	(pc) =	sbr.abs _section_cstart, $3  }
0xc2: {  	[dreg:$0x1] =	wrdreg $0xFFFFFFFF  }
0xc3: {  	_ =	task.clear_ibuf [dreg:s8], $0x2FFFF;
	_ =	strace $0x9FFFFFFF  }
0xc4: {  	(tm) =	ssettm $0x7FFFFFFF  }
0xc5: {  	_ =	shalt  }
tec
execute0_lowered:
.L_overlay_start_1:
0x0: {  	(tag) =	ssettag $0x1  }
0x1: {  	s5 =	rddreg [dreg:$0x0];
	s1 =	srdreg.scid  }
0x2: {  	s0 =	stileid.u32;
	s2 =	rddreg [dreg:$0x1]  }
0x3: {  	s3 =	rddreg [dreg:$0x2];
	s6 =	sand.u32 $0x1, s1;
	s30 =	sshll.u32 s0, $0x1  }
0x4: {  	s4 =	simm.s32 $0x0;
	s9 =	simm.s32 $0xA000;
	s7 =	sor.u32 s6, s30  }
0x5: {  	s10 =	simm.s32 $0x11D00;
	s11 =	simm.s32 $0x5000;
	s7 =	smul.u32 $0xA00, s7  }
0x6: {  	s12 =	simm.s32 $0x0;
	s1 =	rddreg [dreg:$0x3];
	s6 =	ssub.s32 $0x2, s6  }
0x7: {  	[smem:$0x7FF] =	sst s4;
	s31 =	sshrl.u32 s6, $0x1;
	s7 =	sadd.s32 s7, s5  }
0x8: {  	_ =	strace $0x8000004A;
	s8 =	ssub.s32 s6, s31;
	s5 =	sadd.s32 $0x2800, s7  }
0x9: {  	v0 =	vimm.f32 $0.0e+00;
	s6 =	sadd.s32 $0x16800, s7;
	s7 =	smax.u32 s8, $0x1;
	s8 =	simm.s32 $0x1  }
.LBB2_1:
0xa: {  	[tilespmem:s4], [sflag:$0x1] =	stream.linear.gather [hbm4b:s5+s4], $0x5000, $0x38;
	[tilespmem:$0x19A00] =	vst v63  }
0xb: {  	_ =	swait.ge [sflag:s8], $0x5000  }
0xc: {  	[sflag:s8] =	ssyncset.done $0x0  }
0xd: {  	s13 =	simm.s32 $0x5040;
	[sflag:s8] =	ssyncadd.s32 $0xFFFFB000  }
0xe: {  	[tilespmem:s13+$0xFFFFFFC0] =	vst v0  }
0xf: {  	[tilespmem:s13+$0x30] =	vst v0  }
0x10: {  	[tilespmem:s13+$0x20] =	vst v0  }
0x11: {  	[tilespmem:s13+$0x10] =	vst v0  }
0x12: {  	[tilespmem:s13+$0x0] =	vst v0  }
0x13: {  	[tilespmem:s13+$0xFFFFFFF0] =	vst v0  }
0x14: {  	s14 =	simm.s32 $0x0;
	[tilespmem:s13+$0xFFFFFFE0] =	vst v0  }
.LBB2_2:
0x15: {  	s14 =	sadd.s32 $0x8, s14;
	[tilespmem:s13+$0xFFFFFFD0] =	vst v0;
	s13 =	sadd.s32 $0x80, s13  }
0x16: {  	[tilespmem:s13+$0xFFFFFFC0] =	vst v0;
	p0 =	slt.u32 s14, $0x4F8  }
0x17: {  	[tilespmem:s13+$0x30] =	vst v0  }
.Ltmp0:
0x18: {  	[tilespmem:s13+$0x20] =	vst v0;
	(pc) =	sbr.rel @p0 .LBB2_2-.Ltmp0, $4  }
0x19: {  	[tilespmem:s13+$0x10] =	vst v0  }
0x1a: {  	[tilespmem:s13+$0x0] =	vst v0  }
0x1b: {  	[tilespmem:s13+$0xFFFFFFF0] =	vst v0  }
0x1c: {  	[tilespmem:s13+$0xFFFFFFE0] =	vst v0  }
0x1d: {  	[tilespmem:s13+$0xFFFFFFD0] =	vst v0;
	s13 =	simm.s32 $0x0  }
.LBB2_4:
0x1e: {  	s14 =	smul.u32 $0xFA0, s13;
	_ =	sdelay $0x1  }
0x1f: {  	s15 =	sadd.s32 s2, s14  }
0x20: {  	[tilespmem:s9], [sflag:$0x1] =	stream.linear.gather [hbm4b:s15+s4], $0x7D00, $0x38;
	[tilespmem:$0x19A00] =	vst v63  }
0x21: {  	_ =	swait.ge [sflag:s8], $0x7D00  }
0x22: {  	[sflag:s8] =	ssyncset.done $0x0  }
0x23: {  	s14 =	sadd.s32 s3, s14;
	[sflag:s8] =	ssyncadd.s32 $0xFFFF8300  }
0x24: {  	[tilespmem:s10], [sflag:$0x1] =	stream.linear.gather [hbm4b:s14+s4], $0x7D00, $0x38;
	[tilespmem:$0x19A00] =	vst v63  }
0x25: {  	_ =	swait.ge [sflag:s8], $0x7D00  }
0x26: {  	[sflag:s8] =	ssyncset.done $0x0  }
0x27: {  	s29 =	simm.s32 $0xA020;
	[sflag:s8] =	ssyncadd.s32 $0xFFFF8300  }
0x28: {  	v1 =	vld [tilespmem:s29+$0x10];
	_ =	sdelay $0x1  }
0x29: {  	v2 =	vld [tilespmem:s29+$0xFFFFFFF0]  }
0x2a: {  	v3 =	vld [tilespmem:s29+$0xFFFFFFE0];
	_ =	sdelay $0x1  }
0x2b: {  	v4 =	vand.u32 $0x3FFF, v1  }
0x2c: {  	v5 =	vld [tilespmem:s29+$0x0]  }
0x2d: {  	s30 =	simm.s32 $0x11D20;
	v6 =	vand.u32 $0x3FFF, v2  }
0x2e: {  	v10 =	vld [tilespmem:s30+$0x10];
	v7 =	vand.u32 $0x3FFF, v3  }
0x2f: {  	v13 =	vld [tilespmem:s30+$0xFFFFFFE0]  }
0x30: {  	v8 =	vld.idx.msk [tilespmem:v4+s4+$0x0], $0xffff  }
0x31: {  	v14 =	vld [tilespmem:s30+$0xFFFFFFF0];
	v9 =	vand.u32 $0x3FFF, v5  }
0x32: {  	v1 =	vshrl.u32 v1, $0xE;
	v11 =	vld.idx.msk [tilespmem:v6+s4+$0x0], $0xffff  }
0x33: {  	v12 =	vld.idx.msk [tilespmem:v7+s4+$0x0], $0xffff;
	v4 =	vadd.s32 $0x2800, v4  }
0x34: {  	s31 =	simm.s32 $0xA060;
	v16 =	vld [tilespmem:s30+$0x0];
	v2 =	vshrl.u32 v2, $0xE  }
0x35: {  	v17 =	vld [tilespmem:s31+$0x10];
	v8 =	vmul.f32 v8, v10  }
0x36: {  	v3 =	vshrl.u32 v3, $0xE;
	v15 =	vld.idx.msk [tilespmem:v9+s4+$0x0], $0xffff  }
0x37: {  	v11 =	vmul.f32 v11, v14;
	[tilespmem:v1+s11+$0x0] =	vst.idx.add.f32.msk $0xffff, v8  }
0x38: {  	v8 =	vmul.f32 v12, v13;
	v12 =	vadd.s32 $0x2800, v1;
	v4 =	vld.idx.msk [tilespmem:v4+s4+$0x0], $0xffff  }
0x39: {  	v6 =	vadd.s32 $0x2800, v6;
	v1 =	vand.u32 $0x7F, v1;
	[tilespmem:v2+s11+$0x0] =	vst.idx.add.f32.msk $0xffff, v11;
	v12 =	vand.u32 $0x7FF80, v12  }
0x3a: {  	v1 =	vor.u32 v1, v12;
	v12 =	vld [tilespmem:s31+$0xFFFFFFE0]  }
0x3b: {  	v5 =	vshrl.u32 v5, $0xE;
	[tilespmem:v3+s11+$0x0] =	vst.idx.add.f32.msk $0xffff, v8  }
0x3c: {  	v7 =	vadd.s32 $0x2800, v7;
	v8 =	vld [tilespmem:s31+$0xFFFFFFF0]  }
0x3d: {  	v11 =	vld [tilespmem:s31+$0x0];
	v4 =	vmul.f32 v4, v10  }
0x3e: {  	v18 =	vld.idx.msk [tilespmem:v6+s4+$0x0], $0xffff;
	v10 =	vmul.f32 v15, v16;
	v15 =	vand.u32 $0x3FFF, v17  }
0x3f: {  	v19 =	vand.u32 $0x3FFF, v12;
	[tilespmem:v1+s11+$0x0] =	vst.idx.add.f32.msk $0xffff, v4  }
0x40: {  	v1 =	vadd.s32 $0x2800, v9;
	[tilespmem:v5+s11+$0x0] =	vst.idx.add.f32.msk $0xffff, v10  }
0x41: {  	s14 =	simm.s32 $0x11D60;
	v4 =	vand.u32 $0x3FFF, v8;
	v9 =	vld.idx.msk [tilespmem:v7+s4+$0x0], $0xffff  }
0x42: {  	v7 =	vand.u32 $0x3FFF, v11;
	v10 =	vld [tilespmem:s14+$0x10]  }
0x43: {  	v21 =	vadd.s32 $0x2800, v5;
	v20 =	vld.idx.msk [tilespmem:v15+s4+$0x0], $0xffff  }
0x44: {  	v22 =	vadd.s32 $0x2800, v3;
	v21 =	vand.u32 $0x7FF80, v21;
	v6 =	vadd.s32 $0x2800, v2;
	v27 =	vld.idx.msk [tilespmem:v19+s4+$0x0], $0xffff  }
0x45: {  	v22 =	vand.u32 $0x7FF80, v22;
	v6 =	vand.u32 $0x7FF80, v6;
	v3 =	vand.u32 $0x7F, v3;
	v23 =	vld.idx.msk [tilespmem:v1+s4+$0x0], $0xffff  }
0x46: {  	v22 =	vor.u32 v3, v22;
	v17 =	vshrl.u32 v17, $0xE;
	v18 =	vmul.f32 v18, v14;
	v24 =	vld.idx.msk [tilespmem:v4+s4+$0x0], $0xffff  }
0x47: {  	v26 =	vshrl.u32 v8, $0xE;
	v62 =	vshrl.u32 v12, $0xE;
	v8 =	vadd.s32 $0x2800, v15;
	v61 =	vld.idx.msk [tilespmem:v7+s4+$0x0], $0xffff  }
0x48: {  	v3 =	vadd.s32 $0x2800, v7;
	v1 =	vand.u32 $0x7F, v2;
	v2 =	vand.u32 $0x7F, v5;
	v7 =	vld [tilespmem:s14+$0xFFFFFFF0]  }
0x49: {  	v5 =	vadd.s32 $0x2800, v26;
	v25 =	vor.u32 v1, v6;
	v1 =	vor.u32 v2, v21;
	v6 =	vld [tilespmem:s14+$0xFFFFFFE0]  }
0x4a: {  	v2 =	vadd.s32 $0x2800, v4;
	v4 =	vshrl.u32 v11, $0xE;
	v11 =	vmul.f32 v20, v10  }
0x4b: {  	v13 =	vmul.f32 v9, v13;
	v9 =	vld [tilespmem:s14+$0x0];
	v12 =	vand.u32 $0x7FF80, v5;
	v5 =	vadd.s32 $0x2800, v62  }
0x4c: {  	v15 =	vadd.s32 $0x2800, v4;
	v5 =	vand.u32 $0x7FF80, v5;
	[tilespmem:v17+s11+$0x0] =	vst.idx.add.f32.msk $0xffff, v11;
	v11 =	vand.u32 $0x7F, v62  }
0x4d: {  	[tilespmem:v22+s11+$0x0] =	vst.idx.add.f32.msk $0xffff, v13;
	v13 =	vadd.s32 $0x2800, v17;
	v5 =	vor.u32 v11, v5;
	v11 =	vand.u32 $0x7F, v26  }
0x4e: {  	v63 =	vmul.f32 v24, v7;
	v14 =	vld.idx.msk [tilespmem:v8+s4+$0x0], $0xffff;
	v27 =	vmul.f32 v27, v6;
	v8 =	vor.u32 v11, v12  }
0x4f: {  	[tilespmem:v25+s11+$0x0] =	vst.idx.add.f32.msk $0xffff, v18;
	v12 =	vmul.f32 v23, v16;
	v16 =	vand.u32 $0x7F, v17;
	v17 =	vand.u32 $0x7FF80, v13  }
0x50: {  	v28 =	vand.u32 $0x7F, v4;
	v15 =	vand.u32 $0x7FF80, v15;
	[tilespmem:v26+s11+$0x0] =	vst.idx.add.f32.msk $0xffff, v63;
	v16 =	vor.u32 v16, v17  }
0x51: {  	s16 =	simm.s32 $0xA0A0;
	s15 =	simm.s32 $0x4;
	v11 =	vor.u32 v28, v15;
	v13 =	vadd.s32 $0x2800, v19;
	v15 =	vmul.f32 v61, v9;
	[tilespmem:v62+s11+$0x0] =	vst.idx.add.f32.msk $0xffff, v27  }
.LBB2_5:
0x52: {  	v17 =	vld [tilespmem:s16+$0x10];
	s15 =	sadd.s32 $0x4, s15  }
0x53: {  	v10 =	vmul.f32 v14, v10;
	v18 =	vld [tilespmem:s16+$0xFFFFFFF0];
	p0 =	slt.u32 s15, $0x7CC  }
0x54: {  	v14 =	vld [tilespmem:s16+$0x0]  }
0x55: {  	[tilespmem:v16+s11+$0x0] =	vst.idx.add.f32.msk $0xffff, v10  }
0x56: {  	v10 =	vld [tilespmem:s16+$0xFFFFFFE0]  }
0x57: {  	v16 =	vand.u32 $0x3FFF, v17;
	[tilespmem:v4+s11+$0x0] =	vst.idx.add.f32.msk $0xffff, v15  }
0x58: {  	v19 =	vshrl.u32 v18, $0xE;
	v15 =	vand.u32 $0x3FFF, v18;
	v18 =	vld.idx.msk [tilespmem:v13+s4+$0x0], $0xffff  }
0x59: {  	v4 =	vshrl.u32 v14, $0xE;
	v14 =	vand.u32 $0x3FFF, v14;
	v20 =	vld.idx.msk [tilespmem:v2+s4+$0x0], $0xffff;
	v2 =	vadd.s32 $0x2800, v15  }
0x5a: {  	v13 =	vadd.s32 $0x2800, v19;
	v21 =	vadd.s32 $0x2800, v4;
	v22 =	vld.idx.msk [tilespmem:v3+s4+$0x0], $0xffff;
	v3 =	vadd.s32 $0x2800, v14  }
0x5b: {  	v25 =	vand.u32 $0x7FF80, v13;
	v23 =	vshrl.u32 v10, $0xE;
	v24 =	vand.u32 $0x3FFF, v10;
	[tilespmem:v1+s11+$0x0] =	vst.idx.add.f32.msk $0xffff, v12;
	v1 =	vmovc v11  }
0x5c: {  	s14 =	sadd.s32 $0x40, s14;
	v11 =	vand.u32 $0x7FF80, v21;
	v13 =	vadd.s32 $0x2800, v24;
	v10 =	vadd.s32 $0x2800, v23;
	v21 =	vld.idx.msk [tilespmem:v16+s4+$0x0], $0xffff  }
0x5d: {  	v27 =	vand.u32 $0x7F, v19;
	v12 =	vand.u32 $0x7F, v23;
	v26 =	vand.u32 $0x7FF80, v10;
	v10 =	vld [tilespmem:s14+$0x10]  }
0x5e: {  	v18 =	vmul.f32 v18, v6;
	v26 =	vor.u32 v12, v26;
	v15 =	vld.idx.msk [tilespmem:v15+s4+$0x0], $0xffff;
	v12 =	vand.u32 $0x7F, v4  }
0x5f: {  	v17 =	vshrl.u32 v17, $0xE;
	v25 =	vor.u32 v27, v25;
	v20 =	vmul.f32 v20, v7;
	v27 =	vld.idx.msk [tilespmem:v14+s4+$0x0], $0xffff  }
0x60: {  	v11 =	vor.u32 v12, v11;
	v14 =	vadd.s32 $0x2800, v16;
	v12 =	vmul.f32 v22, v9;
	v24 =	vld.idx.msk [tilespmem:v24+s4+$0x0], $0xffff  }
0x61: {  	v6 =	vld [tilespmem:s14+$0xFFFFFFE0]  }
0x62: {  	v7 =	vld [tilespmem:s14+$0xFFFFFFF0];
	v16 =	vmul.f32 v21, v10  }
0x63: {  	v9 =	vld [tilespmem:s14+$0x0]  }
0x64: {  	[tilespmem:v17+s11+$0x0] =	vst.idx.add.f32.msk $0xffff, v16  }
.Ltmp1:
0x65: {  	v14 =	vld.idx.msk [tilespmem:v14+s4+$0x0], $0xffff;
	(pc) =	sbr.rel @p0 .LBB2_5-.Ltmp1, $4  }
0x66: {  	v21 =	vadd.s32 $0x2800, v17;
	v16 =	vmul.f32 v24, v6;
	[tilespmem:v5+s11+$0x0] =	vst.idx.add.f32.msk $0xffff, v18;
	v5 =	vmov v26  }
0x67: {  	v21 =	vand.u32 $0x7FF80, v21;
	v17 =	vand.u32 $0x7F, v17;
	v18 =	vmul.f32 v15, v7;
	[tilespmem:v8+s11+$0x0] =	vst.idx.add.f32.msk $0xffff, v20;
	v8 =	vmovc v25  }
0x68: {  	[tilespmem:v23+s11+$0x0] =	vst.idx.add.f32.msk $0xffff, v16;
	v15 =	vmul.f32 v27, v9;
	v16 =	vor.u32 v17, v21  }
0x69: {  	s16 =	sadd.s32 $0x40, s16;
	[tilespmem:v19+s11+$0x0] =	vst.idx.add.f32.msk $0xffff, v18  }
0x6a: {  	_ =	sdelay $0x3  }
0x6b: {  	[tilespmem:v4+s11+$0x0] =	vst.idx.add.f32.msk $0xffff, v15  }
0x6c: {  	v63 =	vld.idx.msk [tilespmem:v13+s4+$0x0], $0xffff  }
0x6d: {  	v2 =	vld.idx.msk [tilespmem:v2+s4+$0x0], $0xffff  }
0x6e: {  	v3 =	vld.idx.msk [tilespmem:v3+s4+$0x0], $0xffff  }
0x6f: {  	s13 =	sadd.s32 $0x1, s13  }
0x70: {  	v10 =	vmul.f32 v14, v10;
	p0 =	sne.s32 s13, $0xA  }
.Ltmp2:
0x71: {  	[tilespmem:v1+s11+$0x0] =	vst.idx.add.f32.msk $0xffff, v12;
	v4 =	vmul.f32 v63, v6;
	(pc) =	sbr.rel @p0 .LBB2_4-.Ltmp2, $4  }
0x72: {  	[tilespmem:v16+s11+$0x0] =	vst.idx.add.f32.msk $0xffff, v10;
	v1 =	vmul.f32 v2, v7  }
0x73: {  	v2 =	vmul.f32 v3, v9;
	[tilespmem:v5+s11+$0x0] =	vst.idx.add.f32.msk $0xffff, v4  }
0x74: {  	[tilespmem:v8+s11+$0x0] =	vst.idx.add.f32.msk $0xffff, v1  }
0x75: {  	[tilespmem:v11+s11+$0x0] =	vst.idx.add.f32.msk $0xffff, v2  }
0x76: {  	s12 =	sadd.s32 $0x1, s12  }
0x77: {  	p0 =	sne.s32 s12, s7  }
.Ltmp3:
0x78: {  	_ = 	snop;
	(pc) =	sbr.rel @p0 .LBB2_1-.Ltmp3, $4  }
0x79: {  	[hbm4b:s6+s4] =	stream.linear.scatter [tilespmem:s11], [sflag:$0x1], $0x5000, $0x38;
	[tilespmem:$0x19A00] =	vst v63  }
0x7a: {  	_ =	swait.ge [sflag:s8], $0x5000  }
0x7b: {  	[sflag:s8] =	ssyncset.done $0x0  }
0x7c: {  	[sflag:s8] =	ssyncadd.s32 $0xFFFFB000  }
0x7d: {  	_ =	sfence.sel $0x180000  }
0x7e: {  	[bflag:$0x0] =	sbarrier.arrive $0xFFFF  }
0x7f: {  	p0 =	sne.s32 s0, $0x0;
	_ =	strace $0x9000004A  }
0x80: {  	s0 =	sadd.s32 @!p0 $0x100000, s1;
	[bflag:$0x2] =	sbarrier.arrive $0xFFFF  }
0x81: {  	[sflag:s0] =	ssyncadd.tile.s32 @!p0 $0x1;
	_ =	shalt  }
.Lfunc_end2:
_tile_overlayer_lowered:
.L_overlay_start_2:
0x82: {  	(tag) =	ssettag $0x2  }
0x83: {  	s0 =	rddreg [dreg:$0x0];
	s2 =	stileid.u32  }
0x84: {  	s1 =	rddreg [dreg:$0x1];
	p0 =	sne.s32 s2, $0x0  }
0x85: {  	s3 =	rddreg [dreg:$0x2];
	[bflag:$0x3] =	sbarrier.arrive $0xFFFF;
	s2 =	simm.s32 @!p0 $0x1C01  }
0x86: {  	[timem:s3], [sflag:s2] =	dma.local @!p0 [hbm:s0], s1  }
0x87: {  	s0 =	simm.s32 @!p0 $0x1  }
0x88: {  	_ =	swait.ge @!p0 [sflag:s0], s1  }
0x89: {  	s1 =	ssub.s32 @!p0 $0x0, s1;
	[sflag:s0] =	ssyncset.done @!p0 $0x0  }
0x8a: {  	[sflag:s0] =	ssyncadd.s32 @!p0 s1  }
0x8b: {  	[bflag:$0x3] =	sbarrier.arrive $0xFFFF  }
0x8c: {  	_ =	shalt  }

// kernel: kernel.15.cloned.1.call-start
scs
__scs_entry_jumppad:
0x0: {  	(pc) =	sbr.rel $0x88, $3  }
0x1: {  	(tag) =	ssettag $0x0;
	lr =	simm.s32 $0x1  }
0x2: {  	[smem:$0x3F95] =	sst lr;
	_ =	strace $0xD0000000  }
0x3: {  	_ = 	snop  }
0x4: {  	_ = 	snop  }
0x5: {  	_ = 	snop  }
0x6: {  	_ = 	snop  }
0x7: {  	_ = 	snop  }
__scs_overlays_trampoline_lowered:
0x8: {  	[smem:$0x3FA4] =	sst s0  }
0x9: {  	[smem:$0x3FA5] =	sst s1  }
0xa: {  	[smem:$0x3FA6] =	sst s2  }
0xb: {  	[smem:$0x3FA7] =	sst s3  }
0xc: {  	[smem:$0x3FA8] =	sst s4  }
0xd: {  	[smem:$0x3FA9] =	sst s5  }
0xe: {  	[smem:$0x3FAA] =	sst s6  }
0xf: {  	[smem:$0x3FAB] =	sst s7  }
0x10: {  	[smem:$0x3FAC] =	sst s8  }
0x11: {  	[smem:$0x3FAD] =	sst s9;
	s0 =	simm.s32 @!p0 $0x0  }
0x12: {  	s1 =	sld [smem:$0x3F93];
	s0 =	simm.s32 @p0 $0x1  }
0x13: {  	[smem:$0x3FAE] =	sst s0;
	s0 =	simm.s32 @!p1 $0x0  }
0x14: {  	s2 =	sld [smem:$0x3F92];
	s0 =	simm.s32 @p1 $0x1  }
0x15: {  	[smem:$0x3FAF] =	sst s0;
	s0 =	simm.s32 @!p2 $0x0  }
0x16: {  	s3 =	sld [smem:$0x3FDB];
	s0 =	simm.s32 @p2 $0x1  }
0x17: {  	s4 =	simm.s32 $0x1BF5;
	[smem:$0x3FB1] =	sst s0  }
0x18: {  	s0 =	sld [smem:$0x3F94];
	_ =	swait.ge [sflag:s4], $0x0  }
0x19: {  	s7 =	sld [smem:$0x3F95]  }
0x1a: {  	s8 =	sadd.s32 $0xFFFFE003, lr  }
0x1b: {  	s9 =	sadd.s32 $0xFFFFFEF7, lr;
	s5 =	simm.s32 $0xFFFFFFFF;
	p2 =	slt.u32 s8, $0xFFFFF086  }
0x1c: {  	p1 =	slt.u32 s9, $0xF7A;
	s5 =	simm.s32 @!p2 $0x0  }
0x1d: {  	s5 =	simm.s32 @p1 $0x1;
	p0 =	seq.s32 s7, s2  }
0x1e: {  	s7 =	smul.u32 @!p0 $0xF7A, s2;
	p2 =	seq.s32 @!p0 s5, $0x0  }
0x1f: {  	s9 =	smul.u32 $0xF7A, s1;
	s8 =	simm.s32 @!p0 $0x1BF5;
	p2 =	por !p2, p0  }
0x20: {  	[sflag:s8] =	ssyncset.s32 @!p0 $0xFFFFF086;
	s6 =	sadd.s32 @!p0 s3, s7;
	s7 =	simm.s32 @!p0 $0x108  }
0x21: {  	s3 =	sadd.s32 s3, s9;
	s6 =	sadd.s32 @!p0 $0x88, s6;
	s7 =	simm.s32 @p2 $0x1082  }
0x22: {  	[simem:s7], [sflag:s8] =	dma.local @!p0 [hbm:s6], $0xF7A  }
0x23: {  	s9 =	sor.u32 $0xD0000000, s2;
	s6 =	simm.s32 $0x108;
	_ =	swait.ge @!p0 [sflag:s8], $0x0  }
0x24: {  	s3 =	sadd.s32 $0x88, s3;
	s6 =	simm.s32 @!p1 $0x1082;
	[sflag:s4] =	ssyncset.s32 $0xFFFFF086  }
0x25: {  	[simem:s6], [sflag:s4] =	dma.local [hbm:s3], $0xF7A  }
0x26: {  	[smem:$0x3F95] =	sst s1;
	(tag) =	ssettag s2;
	_ =	strace s9  }
0x27: {  	s1 =	sld [smem:$0x3FA5]  }
0x28: {  	s2 =	sld [smem:$0x3FA6]  }
0x29: {  	s4 =	sld [smem:$0x3FA8]  }
0x2a: {  	p0 =	seq.s32 s5, $0x0;
	s5 =	sld [smem:$0x3FA9]  }
0x2b: {  	s6 =	sld [smem:$0x3FAA]  }
0x2c: {  	s7 =	sld [smem:$0x3FAB]  }
0x2d: {  	s3 =	simm.s32 $0x108;
	s8 =	sld [smem:$0x3FAC]  }
0x2e: {  	s3 =	simm.s32 @!p0 $0x1082;
	s9 =	sld [smem:$0x3FAD]  }
0x2f: {  	lr =	sadd.s32 s0, s3;
	s0 =	sld [smem:$0x3FA4]  }
0x30: {  	s3 =	sld [smem:$0x3FA7]  }
0x31: {  	[smem:$0x3FB0] =	sst s10  }
0x32: {  	s10 =	sld [smem:$0x3FAE];
	_ =	sdelay $0x3  }
0x33: {  	p0 =	seq.s32 s10, $0x1;
	s10 =	sld [smem:$0x3FB0];
	_ =	sdelay $0x3  }
0x34: {  	[smem:$0x3FB0] =	sst s10  }
0x35: {  	s10 =	sld [smem:$0x3FAF];
	_ =	sdelay $0x3  }
0x36: {  	p1 =	seq.s32 s10, $0x1;
	s10 =	sld [smem:$0x3FB0];
	_ =	sdelay $0x3  }
0x37: {  	[smem:$0x3FB0] =	sst s10  }
0x38: {  	s10 =	sld [smem:$0x3FB1]  }
0x39: {  	_ = 	snop;
	(pc) =	sbr.ind lr, $3  }
0x3a: {  	_ = 	snop  }
0x3b: {  	_ = 	snop  }
0x3c: {  	p2 =	seq.s32 s10, $0x1;
	s10 =	sld [smem:$0x3FB0]  }
0x3d: {  	_ =	shalt  }
0x3e: {  	_ =	shalt  }
0x3f: {  	_ =	shalt  }
0x40: {  	_ =	shalt  }
0x41: {  	_ =	shalt  }
0x42: {  	_ =	shalt  }
0x43: {  	_ =	shalt  }
0x44: {  	_ =	shalt  }
0x45: {  	_ =	shalt  }
0x46: {  	_ =	shalt  }
0x47: {  	_ =	shalt  }
0x48: {  	_ =	shalt  }
0x49: {  	_ =	shalt  }
0x4a: {  	_ =	shalt  }
0x4b: {  	_ =	shalt  }
0x4c: {  	_ =	shalt  }
0x4d: {  	_ =	shalt  }
0x4e: {  	_ =	shalt  }
0x4f: {  	_ =	shalt  }
0x50: {  	_ =	shalt  }
0x51: {  	_ =	shalt  }
0x52: {  	_ =	shalt  }
0x53: {  	_ =	shalt  }
0x54: {  	_ =	shalt  }
0x55: {  	_ =	shalt  }
0x56: {  	_ =	shalt  }
0x57: {  	_ =	shalt  }
0x58: {  	_ =	shalt  }
0x59: {  	_ =	shalt  }
0x5a: {  	_ =	shalt  }
0x5b: {  	_ =	shalt  }
0x5c: {  	_ =	shalt  }
0x5d: {  	_ =	shalt  }
0x5e: {  	_ =	shalt  }
0x5f: {  	_ =	shalt  }
0x60: {  	_ =	shalt  }
0x61: {  	_ =	shalt  }
0x62: {  	_ =	shalt  }
0x63: {  	_ =	shalt  }
0x64: {  	_ =	shalt  }
0x65: {  	_ =	shalt  }
0x66: {  	_ =	shalt  }
0x67: {  	_ =	shalt  }
0x68: {  	_ =	shalt  }
0x69: {  	_ =	shalt  }
0x6a: {  	_ =	shalt  }
0x6b: {  	_ =	shalt  }
0x6c: {  	_ =	shalt  }
0x6d: {  	_ =	shalt  }
0x6e: {  	_ =	shalt  }
0x6f: {  	_ =	shalt  }
0x70: {  	_ =	shalt  }
0x71: {  	_ =	shalt  }
0x72: {  	_ =	shalt  }
0x73: {  	_ =	shalt  }
0x74: {  	_ =	shalt  }
0x75: {  	_ =	shalt  }
0x76: {  	_ =	shalt  }
0x77: {  	_ =	shalt  }
0x78: {  	_ =	shalt  }
0x79: {  	_ =	shalt  }
0x7a: {  	_ =	shalt  }
0x7b: {  	_ =	shalt  }
0x7c: {  	_ =	shalt  }
0x7d: {  	_ =	shalt  }
0x7e: {  	_ =	shalt  }
0x7f: {  	_ =	shalt  }
0x80: {  	_ =	shalt  }
0x81: {  	_ =	shalt  }
0x82: {  	_ =	shalt  }
0x83: {  	_ =	shalt  }
0x84: {  	_ =	shalt  }
0x85: {  	_ =	shalt  }
0x86: {  	_ =	shalt  }
0x87: {  	_ =	shalt  }
.Lfunc_end0:
.L_simem_size_0:
called_computation.2_lowered:
.L_overlay_start_0:
0x88: {  	s2 =	sld [smem:$0x3FD9]  }
0x89: {  	s3 =	sld [smem:$0x3FFE];
	_ =	sdelay $0x1  }
0x8a: {  	s1 =	srdreg.scid  }
0x8b: {  	s0 =	sand.u32 $0x1, s1  }
0x8c: {  	s17 =	sshll.u32 s0, $0xA;
	s2 =	sadd.s32 s3, s2  }
0x8d: {  	s2 =	sadd.s32 s2, s17  }
0x8e: {  	[smem:$0x3FBC] =	sst s2  }
0x8f: {  	_ = 	snop  }
0x90: {  	s2 =	sld [smem:$0x3FC7]  }
0x91: {  	s18 =	sld [smem:$0x3FD0];
	(tm) =	ssettm $0x1  }
0x92: {  	s4 =	sld [smem:$0x3FFB];
	_ =	sdelay $0x3  }
0x93: {  	_ =	strace s4  }
0x94: {  	s4 =	sld [smem:$0x3FFC];
	_ =	sdelay $0x3  }
0x95: {  	_ =	strace s4  }
0x96: {  	s4 =	sld [smem:$0x3FFD];
	_ =	sdelay $0x3  }
0x97: {  	_ =	strace s4  }
0x98: {  	_ =	strace $0x8FFFFFFF  }
0x99: {  	s19 =	sld [smem:$0x3FDB];
	_ =	sdelay $0x1  }
0x9a: {  	s5 =	simm.s32 $_scs_section_size  }
0x9b: {  	s6 =	simm.s32 $_size__tile_overlayer_lowered;
	s7 =	simm.s32 $_tile_overlayer_lowered  }
0x9c: {  	s22 =	simm.s32 $0x1BFF;
	s21 =	sshll.u32 s7, $0x1;
	s4 =	sadd.s32 s5, s19  }
0x9d: {  	s8 =	simm.s32 $0x0;
	s20 =	sshll.u32 s6, $0x1;
	s6 =	sadd.s32 s21, s4  }
0x9e: {  	[timem:s8], [sflag:s22] =	dma.local [hbm:s6], s20  }
0x9f: {  	_ =	swait.ge [sflag:s22], s20  }
0xa0: {  	s5 =	ssub.s32 $0x0, s20;
	[sflag:s22] =	ssyncset.done $0x0  }
0xa1: {  	[sflag:s22] =	ssyncadd.s32 s5;
	_ =	sdelay $0x1  }
0xa2: {  	s23 =	simm.s32 $0x1B8B  }
0xa3: {  	_ =	swait.ge [sflag:s23], $0x1  }
0xa4: {  	[sflag:s23] =	ssyncset.done $0x0  }
0xa5: {  	s25 =	simm.s32 $0x1B8E;
	s24 =	sld [smem:$0x3FFE];
	[sflag:s23] =	ssyncadd.s32 $0xFFFFFFFF  }
0xa6: {  	s26 =	simm.s32 $execute0_lowered;
	[smem:$0x3FD2] =	sst s25  }
0xa7: {  	s6 =	sshll.u32 s26, $0x1;
	_ =	strace $0x8000004C;
	[dreg:$0x1] =	wrdreg $0xFFFFFFFF  }
0xa8: {  	s28 =	simm.s32 $_size_execute0_lowered;
	s4 =	sadd.s32 s4, s6;
	[dreg:$0x0] =	wrdreg $0x0  }
0xa9: {  	s6 =	sshll.u32 s28, $0x1;
	[dreg:$0x2] =	wrdreg s4  }
0xaa: {  	[dreg:$0x3] =	wrdreg s6  }
0xab: {  	[dreg:$0x4] =	wrdreg $0xC0  }
0xac: {  	_ =	task [dreg:s8], $0x5FFFF  }
0xad: {  	[dreg:$0x1] =	wrdreg $0xFFFFFFFF  }
0xae: {  	[dreg:$0x0] =	wrdreg $0x60  }
0xaf: {  	[dreg:$0x2] =	wrdreg s24  }
0xb0: {  	[dreg:$0x3] =	wrdreg s18  }
0xb1: {  	[dreg:$0x4] =	wrdreg s2  }
0xb2: {  	[dreg:$0x5] =	wrdreg $0x9  }
0xb3: {  	_ =	task.clear_ibuf [dreg:s8], $0x6FFFF;
	_ =	strace $0x9000004C  }
0xb4: {  	s29 =	simm.s32 $0x9;
	_ =	strace $0x8000004E  }
0xb5: {  	_ =	swait.ge [sflag:s29], $0x1  }
0xb6: {  	[sflag:s29] =	ssyncadd.s32 $0xFFFFFFFF  }
0xb7: {  	_ =	strace $0x9000004E  }
0xb8: {  	_ =	sfence  }
0xb9: {  	s30 =	sld [smem:$0x0];
	_ =	sdelay $0x2  }
0xba: {  	s31 =	sshll.u32 s1, $0xD;
	s1 =	sshrl.u32 s1, $0x2  }
0xbb: {  	s3 =	sand.u32 $0x4000, s31;
	s1 =	sadd.s32 s1, s30  }
0xbc: {  	s0 =	sor.u32 s3, s0;
	s1 =	sshll.u32 s1, $0x11  }
0xbd: {  	s0 =	sor.u32 s1, s0  }
0xbe: {  	s0 =	sadd.s32 $0x8F2B, s0  }
0xbf: {  	[sflag:s0] =	ssyncadd.remote.s32 $0x1  }
0xc0: {  	_ =	sfence.sel $0xFFFF  }
0xc1: {  	[dreg:$0x0] =	wrdreg $0xFFFFFFFF;
	(pc) =	sbr.abs _section_cstart, $3  }
0xc2: {  	[dreg:$0x1] =	wrdreg $0xFFFFFFFF  }
0xc3: {  	_ =	task.clear_ibuf [dreg:s8], $0x2FFFF;
	_ =	strace $0x9FFFFFFF  }
0xc4: {  	(tm) =	ssettm $0x7FFFFFFF  }
0xc5: {  	_ =	shalt  }
tec
execute0_lowered:
.L_overlay_start_1:
0x0: {  	(tag) =	ssettag $0x1  }
0x1: {  	s5 =	rddreg [dreg:$0x0];
	s1 =	srdreg.scid  }
0x2: {  	s0 =	stileid.u32;
	s2 =	rddreg [dreg:$0x1]  }
0x3: {  	s3 =	rddreg [dreg:$0x2];
	s6 =	sand.u32 $0x1, s1;
	s30 =	sshll.u32 s0, $0x1  }
0x4: {  	s4 =	simm.s32 $0x0;
	s9 =	simm.s32 $0xA000;
	s7 =	sor.u32 s6, s30  }
0x5: {  	s10 =	simm.s32 $0x11D00;
	s11 =	simm.s32 $0x5000;
	s7 =	smul.u32 $0xA00, s7  }
0x6: {  	s12 =	simm.s32 $0x0;
	s1 =	rddreg [dreg:$0x3];
	s6 =	ssub.s32 $0x2, s6  }
0x7: {  	[smem:$0x7FF] =	sst s4;
	s31 =	sshrl.u32 s6, $0x1;
	s7 =	sadd.s32 s7, s5  }
0x8: {  	_ =	strace $0x8000004D;
	s8 =	ssub.s32 s6, s31;
	s5 =	sadd.s32 $0x2800, s7  }
0x9: {  	v0 =	vimm.f32 $0.0e+00;
	s6 =	sadd.s32 $0x16800, s7;
	s7 =	smax.u32 s8, $0x1;
	s8 =	simm.s32 $0x1  }
.LBB2_1:
0xa: {  	[tilespmem:s4], [sflag:$0x1] =	stream.linear.gather [hbm4b:s5+s4], $0x5000, $0x38;
	[tilespmem:$0x19A00] =	vst v63  }
0xb: {  	_ =	swait.ge [sflag:s8], $0x5000  }
0xc: {  	[sflag:s8] =	ssyncset.done $0x0  }
0xd: {  	s13 =	simm.s32 $0x5040;
	[sflag:s8] =	ssyncadd.s32 $0xFFFFB000  }
0xe: {  	[tilespmem:s13+$0xFFFFFFC0] =	vst v0  }
0xf: {  	[tilespmem:s13+$0x30] =	vst v0  }
0x10: {  	[tilespmem:s13+$0x20] =	vst v0  }
0x11: {  	[tilespmem:s13+$0x10] =	vst v0  }
0x12: {  	[tilespmem:s13+$0x0] =	vst v0  }
0x13: {  	[tilespmem:s13+$0xFFFFFFF0] =	vst v0  }
0x14: {  	s14 =	simm.s32 $0x0;
	[tilespmem:s13+$0xFFFFFFE0] =	vst v0  }
.LBB2_2:
0x15: {  	s14 =	sadd.s32 $0x8, s14;
	[tilespmem:s13+$0xFFFFFFD0] =	vst v0;
	s13 =	sadd.s32 $0x80, s13  }
0x16: {  	[tilespmem:s13+$0xFFFFFFC0] =	vst v0;
	p0 =	slt.u32 s14, $0x4F8  }
0x17: {  	[tilespmem:s13+$0x30] =	vst v0  }
.Ltmp0:
0x18: {  	[tilespmem:s13+$0x20] =	vst v0;
	(pc) =	sbr.rel @p0 .LBB2_2-.Ltmp0, $4  }
0x19: {  	[tilespmem:s13+$0x10] =	vst v0  }
0x1a: {  	[tilespmem:s13+$0x0] =	vst v0  }
0x1b: {  	[tilespmem:s13+$0xFFFFFFF0] =	vst v0  }
0x1c: {  	[tilespmem:s13+$0xFFFFFFE0] =	vst v0  }
0x1d: {  	[tilespmem:s13+$0xFFFFFFD0] =	vst v0;
	s13 =	simm.s32 $0x0  }
.LBB2_4:
0x1e: {  	s14 =	smul.u32 $0xFA0, s13;
	_ =	sdelay $0x1  }
0x1f: {  	s15 =	sadd.s32 s2, s14  }
0x20: {  	[tilespmem:s9], [sflag:$0x1] =	stream.linear.gather [hbm4b:s15+s4], $0x7D00, $0x38;
	[tilespmem:$0x19A00] =	vst v63  }
0x21: {  	_ =	swait.ge [sflag:s8], $0x7D00  }
0x22: {  	[sflag:s8] =	ssyncset.done $0x0  }
0x23: {  	s14 =	sadd.s32 s3, s14;
	[sflag:s8] =	ssyncadd.s32 $0xFFFF8300  }
0x24: {  	[tilespmem:s10], [sflag:$0x1] =	stream.linear.gather [hbm4b:s14+s4], $0x7D00, $0x38;
	[tilespmem:$0x19A00] =	vst v63  }
0x25: {  	_ =	swait.ge [sflag:s8], $0x7D00  }
0x26: {  	[sflag:s8] =	ssyncset.done $0x0  }
0x27: {  	s29 =	simm.s32 $0xA020;
	[sflag:s8] =	ssyncadd.s32 $0xFFFF8300  }
0x28: {  	v1 =	vld [tilespmem:s29+$0x10];
	_ =	sdelay $0x1  }
0x29: {  	v2 =	vld [tilespmem:s29+$0xFFFFFFF0]  }
0x2a: {  	v3 =	vld [tilespmem:s29+$0xFFFFFFE0];
	_ =	sdelay $0x1  }
0x2b: {  	v4 =	vand.u32 $0x3FFF, v1  }
0x2c: {  	v5 =	vld [tilespmem:s29+$0x0]  }
0x2d: {  	s30 =	simm.s32 $0x11D20;
	v6 =	vand.u32 $0x3FFF, v2  }
0x2e: {  	v10 =	vld [tilespmem:s30+$0x10];
	v7 =	vand.u32 $0x3FFF, v3  }
0x2f: {  	v13 =	vld [tilespmem:s30+$0xFFFFFFE0]  }
0x30: {  	v8 =	vld.idx.msk [tilespmem:v4+s4+$0x0], $0xffff  }
0x31: {  	v14 =	vld [tilespmem:s30+$0xFFFFFFF0];
	v9 =	vand.u32 $0x3FFF, v5  }
0x32: {  	v1 =	vshrl.u32 v1, $0xE;
	v11 =	vld.idx.msk [tilespmem:v6+s4+$0x0], $0xffff  }
0x33: {  	v12 =	vld.idx.msk [tilespmem:v7+s4+$0x0], $0xffff;
	v4 =	vadd.s32 $0x2800, v4  }
0x34: {  	s31 =	simm.s32 $0xA060;
	v16 =	vld [tilespmem:s30+$0x0];
	v2 =	vshrl.u32 v2, $0xE  }
0x35: {  	v17 =	vld [tilespmem:s31+$0x10];
	v8 =	vmul.f32 v8, v10  }
0x36: {  	v3 =	vshrl.u32 v3, $0xE;
	v15 =	vld.idx.msk [tilespmem:v9+s4+$0x0], $0xffff  }
0x37: {  	v11 =	vmul.f32 v11, v14;
	[tilespmem:v1+s11+$0x0] =	vst.idx.add.f32.msk $0xffff, v8  }
0x38: {  	v8 =	vmul.f32 v12, v13;
	v12 =	vadd.s32 $0x2800, v1;
	v4 =	vld.idx.msk [tilespmem:v4+s4+$0x0], $0xffff  }
0x39: {  	v6 =	vadd.s32 $0x2800, v6;
	v1 =	vand.u32 $0x7F, v1;
	[tilespmem:v2+s11+$0x0] =	vst.idx.add.f32.msk $0xffff, v11;
	v12 =	vand.u32 $0x7FF80, v12  }
0x3a: {  	v1 =	vor.u32 v1, v12;
	v12 =	vld [tilespmem:s31+$0xFFFFFFE0]  }
0x3b: {  	v5 =	vshrl.u32 v5, $0xE;
	[tilespmem:v3+s11+$0x0] =	vst.idx.add.f32.msk $0xffff, v8  }
0x3c: {  	v7 =	vadd.s32 $0x2800, v7;
	v8 =	vld [tilespmem:s31+$0xFFFFFFF0]  }
0x3d: {  	v11 =	vld [tilespmem:s31+$0x0];
	v4 =	vmul.f32 v4, v10  }
0x3e: {  	v18 =	vld.idx.msk [tilespmem:v6+s4+$0x0], $0xffff;
	v10 =	vmul.f32 v15, v16;
	v15 =	vand.u32 $0x3FFF, v17  }
0x3f: {  	v19 =	vand.u32 $0x3FFF, v12;
	[tilespmem:v1+s11+$0x0] =	vst.idx.add.f32.msk $0xffff, v4  }
0x40: {  	v1 =	vadd.s32 $0x2800, v9;
	[tilespmem:v5+s11+$0x0] =	vst.idx.add.f32.msk $0xffff, v10  }
0x41: {  	s14 =	simm.s32 $0x11D60;
	v4 =	vand.u32 $0x3FFF, v8;
	v9 =	vld.idx.msk [tilespmem:v7+s4+$0x0], $0xffff  }
0x42: {  	v7 =	vand.u32 $0x3FFF, v11;
	v10 =	vld [tilespmem:s14+$0x10]  }
0x43: {  	v21 =	vadd.s32 $0x2800, v5;
	v20 =	vld.idx.msk [tilespmem:v15+s4+$0x0], $0xffff  }
0x44: {  	v22 =	vadd.s32 $0x2800, v3;
	v21 =	vand.u32 $0x7FF80, v21;
	v6 =	vadd.s32 $0x2800, v2;
	v27 =	vld.idx.msk [tilespmem:v19+s4+$0x0], $0xffff  }
0x45: {  	v22 =	vand.u32 $0x7FF80, v22;
	v6 =	vand.u32 $0x7FF80, v6;
	v3 =	vand.u32 $0x7F, v3;
	v23 =	vld.idx.msk [tilespmem:v1+s4+$0x0], $0xffff  }
0x46: {  	v22 =	vor.u32 v3, v22;
	v17 =	vshrl.u32 v17, $0xE;
	v18 =	vmul.f32 v18, v14;
	v24 =	vld.idx.msk [tilespmem:v4+s4+$0x0], $0xffff  }
0x47: {  	v26 =	vshrl.u32 v8, $0xE;
	v62 =	vshrl.u32 v12, $0xE;
	v8 =	vadd.s32 $0x2800, v15;
	v61 =	vld.idx.msk [tilespmem:v7+s4+$0x0], $0xffff  }
0x48: {  	v3 =	vadd.s32 $0x2800, v7;
	v1 =	vand.u32 $0x7F, v2;
	v2 =	vand.u32 $0x7F, v5;
	v7 =	vld [tilespmem:s14+$0xFFFFFFF0]  }
0x49: {  	v5 =	vadd.s32 $0x2800, v26;
	v25 =	vor.u32 v1, v6;
	v1 =	vor.u32 v2, v21;
	v6 =	vld [tilespmem:s14+$0xFFFFFFE0]  }
0x4a: {  	v2 =	vadd.s32 $0x2800, v4;
	v4 =	vshrl.u32 v11, $0xE;
	v11 =	vmul.f32 v20, v10  }
0x4b: {  	v13 =	vmul.f32 v9, v13;
	v9 =	vld [tilespmem:s14+$0x0];
	v12 =	vand.u32 $0x7FF80, v5;
	v5 =	vadd.s32 $0x2800, v62  }
0x4c: {  	v15 =	vadd.s32 $0x2800, v4;
	v5 =	vand.u32 $0x7FF80, v5;
	[tilespmem:v17+s11+$0x0] =	vst.idx.add.f32.msk $0xffff, v11;
	v11 =	vand.u32 $0x7F, v62  }
0x4d: {  	[tilespmem:v22+s11+$0x0] =	vst.idx.add.f32.msk $0xffff, v13;
	v13 =	vadd.s32 $0x2800, v17;
	v5 =	vor.u32 v11, v5;
	v11 =	vand.u32 $0x7F, v26  }
0x4e: {  	v63 =	vmul.f32 v24, v7;
	v14 =	vld.idx.msk [tilespmem:v8+s4+$0x0], $0xffff;
	v27 =	vmul.f32 v27, v6;
	v8 =	vor.u32 v11, v12  }
0x4f: {  	[tilespmem:v25+s11+$0x0] =	vst.idx.add.f32.msk $0xffff, v18;
	v12 =	vmul.f32 v23, v16;
	v16 =	vand.u32 $0x7F, v17;
	v17 =	vand.u32 $0x7FF80, v13  }
0x50: {  	v28 =	vand.u32 $0x7F, v4;
	v15 =	vand.u32 $0x7FF80, v15;
	[tilespmem:v26+s11+$0x0] =	vst.idx.add.f32.msk $0xffff, v63;
	v16 =	vor.u32 v16, v17  }
0x51: {  	s16 =	simm.s32 $0xA0A0;
	s15 =	simm.s32 $0x4;
	v11 =	vor.u32 v28, v15;
	v13 =	vadd.s32 $0x2800, v19;
	v15 =	vmul.f32 v61, v9;
	[tilespmem:v62+s11+$0x0] =	vst.idx.add.f32.msk $0xffff, v27  }
.LBB2_5:
0x52: {  	v17 =	vld [tilespmem:s16+$0x10];
	s15 =	sadd.s32 $0x4, s15  }
0x53: {  	v10 =	vmul.f32 v14, v10;
	v18 =	vld [tilespmem:s16+$0xFFFFFFF0];
	p0 =	slt.u32 s15, $0x7CC  }
0x54: {  	v14 =	vld [tilespmem:s16+$0x0]  }
0x55: {  	[tilespmem:v16+s11+$0x0] =	vst.idx.add.f32.msk $0xffff, v10  }
0x56: {  	v10 =	vld [tilespmem:s16+$0xFFFFFFE0]  }
0x57: {  	v16 =	vand.u32 $0x3FFF, v17;
	[tilespmem:v4+s11+$0x0] =	vst.idx.add.f32.msk $0xffff, v15  }
0x58: {  	v19 =	vshrl.u32 v18, $0xE;
	v15 =	vand.u32 $0x3FFF, v18;
	v18 =	vld.idx.msk [tilespmem:v13+s4+$0x0], $0xffff  }
0x59: {  	v4 =	vshrl.u32 v14, $0xE;
	v14 =	vand.u32 $0x3FFF, v14;
	v20 =	vld.idx.msk [tilespmem:v2+s4+$0x0], $0xffff;
	v2 =	vadd.s32 $0x2800, v15  }
0x5a: {  	v13 =	vadd.s32 $0x2800, v19;
	v21 =	vadd.s32 $0x2800, v4;
	v22 =	vld.idx.msk [tilespmem:v3+s4+$0x0], $0xffff;
	v3 =	vadd.s32 $0x2800, v14  }
0x5b: {  	v25 =	vand.u32 $0x7FF80, v13;
	v23 =	vshrl.u32 v10, $0xE;
	v24 =	vand.u32 $0x3FFF, v10;
	[tilespmem:v1+s11+$0x0] =	vst.idx.add.f32.msk $0xffff, v12;
	v1 =	vmovc v11  }
0x5c: {  	s14 =	sadd.s32 $0x40, s14;
	v11 =	vand.u32 $0x7FF80, v21;
	v13 =	vadd.s32 $0x2800, v24;
	v10 =	vadd.s32 $0x2800, v23;
	v21 =	vld.idx.msk [tilespmem:v16+s4+$0x0], $0xffff  }
0x5d: {  	v27 =	vand.u32 $0x7F, v19;
	v12 =	vand.u32 $0x7F, v23;
	v26 =	vand.u32 $0x7FF80, v10;
	v10 =	vld [tilespmem:s14+$0x10]  }
0x5e: {  	v18 =	vmul.f32 v18, v6;
	v26 =	vor.u32 v12, v26;
	v15 =	vld.idx.msk [tilespmem:v15+s4+$0x0], $0xffff;
	v12 =	vand.u32 $0x7F, v4  }
0x5f: {  	v17 =	vshrl.u32 v17, $0xE;
	v25 =	vor.u32 v27, v25;
	v20 =	vmul.f32 v20, v7;
	v27 =	vld.idx.msk [tilespmem:v14+s4+$0x0], $0xffff  }
0x60: {  	v11 =	vor.u32 v12, v11;
	v14 =	vadd.s32 $0x2800, v16;
	v12 =	vmul.f32 v22, v9;
	v24 =	vld.idx.msk [tilespmem:v24+s4+$0x0], $0xffff  }
0x61: {  	v6 =	vld [tilespmem:s14+$0xFFFFFFE0]  }
0x62: {  	v7 =	vld [tilespmem:s14+$0xFFFFFFF0];
	v16 =	vmul.f32 v21, v10  }
0x63: {  	v9 =	vld [tilespmem:s14+$0x0]  }
0x64: {  	[tilespmem:v17+s11+$0x0] =	vst.idx.add.f32.msk $0xffff, v16  }
.Ltmp1:
0x65: {  	v14 =	vld.idx.msk [tilespmem:v14+s4+$0x0], $0xffff;
	(pc) =	sbr.rel @p0 .LBB2_5-.Ltmp1, $4  }
0x66: {  	v21 =	vadd.s32 $0x2800, v17;
	v16 =	vmul.f32 v24, v6;
	[tilespmem:v5+s11+$0x0] =	vst.idx.add.f32.msk $0xffff, v18;
	v5 =	vmov v26  }
0x67: {  	v21 =	vand.u32 $0x7FF80, v21;
	v17 =	vand.u32 $0x7F, v17;
	v18 =	vmul.f32 v15, v7;
	[tilespmem:v8+s11+$0x0] =	vst.idx.add.f32.msk $0xffff, v20;
	v8 =	vmovc v25  }
0x68: {  	[tilespmem:v23+s11+$0x0] =	vst.idx.add.f32.msk $0xffff, v16;
	v15 =	vmul.f32 v27, v9;
	v16 =	vor.u32 v17, v21  }
0x69: {  	s16 =	sadd.s32 $0x40, s16;
	[tilespmem:v19+s11+$0x0] =	vst.idx.add.f32.msk $0xffff, v18  }
0x6a: {  	_ =	sdelay $0x3  }
0x6b: {  	[tilespmem:v4+s11+$0x0] =	vst.idx.add.f32.msk $0xffff, v15  }
0x6c: {  	v63 =	vld.idx.msk [tilespmem:v13+s4+$0x0], $0xffff  }
0x6d: {  	v2 =	vld.idx.msk [tilespmem:v2+s4+$0x0], $0xffff  }
0x6e: {  	v3 =	vld.idx.msk [tilespmem:v3+s4+$0x0], $0xffff  }
0x6f: {  	s13 =	sadd.s32 $0x1, s13  }
0x70: {  	v10 =	vmul.f32 v14, v10;
	p0 =	sne.s32 s13, $0xA  }
.Ltmp2:
0x71: {  	[tilespmem:v1+s11+$0x0] =	vst.idx.add.f32.msk $0xffff, v12;
	v4 =	vmul.f32 v63, v6;
	(pc) =	sbr.rel @p0 .LBB2_4-.Ltmp2, $4  }
0x72: {  	[tilespmem:v16+s11+$0x0] =	vst.idx.add.f32.msk $0xffff, v10;
	v1 =	vmul.f32 v2, v7  }
0x73: {  	v2 =	vmul.f32 v3, v9;
	[tilespmem:v5+s11+$0x0] =	vst.idx.add.f32.msk $0xffff, v4  }
0x74: {  	[tilespmem:v8+s11+$0x0] =	vst.idx.add.f32.msk $0xffff, v1  }
0x75: {  	[tilespmem:v11+s11+$0x0] =	vst.idx.add.f32.msk $0xffff, v2  }
0x76: {  	s12 =	sadd.s32 $0x1, s12  }
0x77: {  	p0 =	sne.s32 s12, s7  }
.Ltmp3:
0x78: {  	_ = 	snop;
	(pc) =	sbr.rel @p0 .LBB2_1-.Ltmp3, $4  }
0x79: {  	[hbm4b:s6+s4] =	stream.linear.scatter [tilespmem:s11], [sflag:$0x1], $0x5000, $0x38;
	[tilespmem:$0x19A00] =	vst v63  }
0x7a: {  	_ =	swait.ge [sflag:s8], $0x5000  }
0x7b: {  	[sflag:s8] =	ssyncset.done $0x0  }
0x7c: {  	[sflag:s8] =	ssyncadd.s32 $0xFFFFB000  }
0x7d: {  	_ =	sfence.sel $0x180000  }
0x7e: {  	[bflag:$0x0] =	sbarrier.arrive $0xFFFF  }
0x7f: {  	p0 =	sne.s32 s0, $0x0;
	_ =	strace $0x9000004D  }
0x80: {  	s0 =	sadd.s32 @!p0 $0x100000, s1;
	[bflag:$0x2] =	sbarrier.arrive $0xFFFF  }
0x81: {  	[sflag:s0] =	ssyncadd.tile.s32 @!p0 $0x1;
	_ =	shalt  }
.Lfunc_end2:
_tile_overlayer_lowered:
.L_overlay_start_2:
0x82: {  	(tag) =	ssettag $0x2  }
0x83: {  	s0 =	rddreg [dreg:$0x0];
	s2 =	stileid.u32  }
0x84: {  	s1 =	rddreg [dreg:$0x1];
	p0 =	sne.s32 s2, $0x0  }
0x85: {  	s3 =	rddreg [dreg:$0x2];
	[bflag:$0x3] =	sbarrier.arrive $0xFFFF;
	s2 =	simm.s32 @!p0 $0x1C01  }
0x86: {  	[timem:s3], [sflag:s2] =	dma.local @!p0 [hbm:s0], s1  }
0x87: {  	s0 =	simm.s32 @!p0 $0x1  }
0x88: {  	_ =	swait.ge @!p0 [sflag:s0], s1  }
0x89: {  	s1 =	ssub.s32 @!p0 $0x0, s1;
	[sflag:s0] =	ssyncset.done @!p0 $0x0  }
0x8a: {  	[sflag:s0] =	ssyncadd.s32 @!p0 s1  }
0x8b: {  	[bflag:$0x3] =	sbarrier.arrive $0xFFFF  }
0x8c: {  	_ =	shalt  }

// kernel: kernel.9.cloned.1.call-start
scs
__scs_entry_jumppad:
0x0: {  	(pc) =	sbr.rel $0x88, $3  }
0x1: {  	(tag) =	ssettag $0x0;
	lr =	simm.s32 $0x1  }
0x2: {  	[smem:$0x3F95] =	sst lr;
	_ =	strace $0xD0000000  }
0x3: {  	_ = 	snop  }
0x4: {  	_ = 	snop  }
0x5: {  	_ = 	snop  }
0x6: {  	_ = 	snop  }
0x7: {  	_ = 	snop  }
__scs_overlays_trampoline_lowered:
0x8: {  	[smem:$0x3FA4] =	sst s0  }
0x9: {  	[smem:$0x3FA5] =	sst s1  }
0xa: {  	[smem:$0x3FA6] =	sst s2  }
0xb: {  	[smem:$0x3FA7] =	sst s3  }
0xc: {  	[smem:$0x3FA8] =	sst s4  }
0xd: {  	[smem:$0x3FA9] =	sst s5  }
0xe: {  	[smem:$0x3FAA] =	sst s6  }
0xf: {  	[smem:$0x3FAB] =	sst s7  }
0x10: {  	[smem:$0x3FAC] =	sst s8  }
0x11: {  	[smem:$0x3FAD] =	sst s9;
	s0 =	simm.s32 @!p0 $0x0  }
0x12: {  	s1 =	sld [smem:$0x3F93];
	s0 =	simm.s32 @p0 $0x1  }
0x13: {  	[smem:$0x3FAE] =	sst s0;
	s0 =	simm.s32 @!p1 $0x0  }
0x14: {  	s2 =	sld [smem:$0x3F92];
	s0 =	simm.s32 @p1 $0x1  }
0x15: {  	[smem:$0x3FAF] =	sst s0;
	s0 =	simm.s32 @!p2 $0x0  }
0x16: {  	s3 =	sld [smem:$0x3FDB];
	s0 =	simm.s32 @p2 $0x1  }
0x17: {  	s4 =	simm.s32 $0x1BF5;
	[smem:$0x3FB1] =	sst s0  }
0x18: {  	s0 =	sld [smem:$0x3F94];
	_ =	swait.ge [sflag:s4], $0x0  }
0x19: {  	s7 =	sld [smem:$0x3F95]  }
0x1a: {  	s8 =	sadd.s32 $0xFFFFE003, lr  }
0x1b: {  	s9 =	sadd.s32 $0xFFFFFEF7, lr;
	s5 =	simm.s32 $0xFFFFFFFF;
	p2 =	slt.u32 s8, $0xFFFFF086  }
0x1c: {  	p1 =	slt.u32 s9, $0xF7A;
	s5 =	simm.s32 @!p2 $0x0  }
0x1d: {  	s5 =	simm.s32 @p1 $0x1;
	p0 =	seq.s32 s7, s2  }
0x1e: {  	s7 =	smul.u32 @!p0 $0xF7A, s2;
	p2 =	seq.s32 @!p0 s5, $0x0  }
0x1f: {  	s9 =	smul.u32 $0xF7A, s1;
	s8 =	simm.s32 @!p0 $0x1BF5;
	p2 =	por !p2, p0  }
0x20: {  	[sflag:s8] =	ssyncset.s32 @!p0 $0xFFFFF086;
	s6 =	sadd.s32 @!p0 s3, s7;
	s7 =	simm.s32 @!p0 $0x108  }
0x21: {  	s3 =	sadd.s32 s3, s9;
	s6 =	sadd.s32 @!p0 $0x88, s6;
	s7 =	simm.s32 @p2 $0x1082  }
0x22: {  	[simem:s7], [sflag:s8] =	dma.local @!p0 [hbm:s6], $0xF7A  }
0x23: {  	s9 =	sor.u32 $0xD0000000, s2;
	s6 =	simm.s32 $0x108;
	_ =	swait.ge @!p0 [sflag:s8], $0x0  }
0x24: {  	s3 =	sadd.s32 $0x88, s3;
	s6 =	simm.s32 @!p1 $0x1082;
	[sflag:s4] =	ssyncset.s32 $0xFFFFF086  }
0x25: {  	[simem:s6], [sflag:s4] =	dma.local [hbm:s3], $0xF7A  }
0x26: {  	[smem:$0x3F95] =	sst s1;
	(tag) =	ssettag s2;
	_ =	strace s9  }
0x27: {  	s1 =	sld [smem:$0x3FA5]  }
0x28: {  	s2 =	sld [smem:$0x3FA6]  }
0x29: {  	s4 =	sld [smem:$0x3FA8]  }
0x2a: {  	p0 =	seq.s32 s5, $0x0;
	s5 =	sld [smem:$0x3FA9]  }
0x2b: {  	s6 =	sld [smem:$0x3FAA]  }
0x2c: {  	s7 =	sld [smem:$0x3FAB]  }
0x2d: {  	s3 =	simm.s32 $0x108;
	s8 =	sld [smem:$0x3FAC]  }
0x2e: {  	s3 =	simm.s32 @!p0 $0x1082;
	s9 =	sld [smem:$0x3FAD]  }
0x2f: {  	lr =	sadd.s32 s0, s3;
	s0 =	sld [smem:$0x3FA4]  }
0x30: {  	s3 =	sld [smem:$0x3FA7]  }
0x31: {  	[smem:$0x3FB0] =	sst s10  }
0x32: {  	s10 =	sld [smem:$0x3FAE];
	_ =	sdelay $0x3  }
0x33: {  	p0 =	seq.s32 s10, $0x1;
	s10 =	sld [smem:$0x3FB0];
	_ =	sdelay $0x3  }
0x34: {  	[smem:$0x3FB0] =	sst s10  }
0x35: {  	s10 =	sld [smem:$0x3FAF];
	_ =	sdelay $0x3  }
0x36: {  	p1 =	seq.s32 s10, $0x1;
	s10 =	sld [smem:$0x3FB0];
	_ =	sdelay $0x3  }
0x37: {  	[smem:$0x3FB0] =	sst s10  }
0x38: {  	s10 =	sld [smem:$0x3FB1]  }
0x39: {  	_ = 	snop;
	(pc) =	sbr.ind lr, $3  }
0x3a: {  	_ = 	snop  }
0x3b: {  	_ = 	snop  }
0x3c: {  	p2 =	seq.s32 s10, $0x1;
	s10 =	sld [smem:$0x3FB0]  }
0x3d: {  	_ =	shalt  }
0x3e: {  	_ =	shalt  }
0x3f: {  	_ =	shalt  }
0x40: {  	_ =	shalt  }
0x41: {  	_ =	shalt  }
0x42: {  	_ =	shalt  }
0x43: {  	_ =	shalt  }
0x44: {  	_ =	shalt  }
0x45: {  	_ =	shalt  }
0x46: {  	_ =	shalt  }
0x47: {  	_ =	shalt  }
0x48: {  	_ =	shalt  }
0x49: {  	_ =	shalt  }
0x4a: {  	_ =	shalt  }
0x4b: {  	_ =	shalt  }
0x4c: {  	_ =	shalt  }
0x4d: {  	_ =	shalt  }
0x4e: {  	_ =	shalt  }
0x4f: {  	_ =	shalt  }
0x50: {  	_ =	shalt  }
0x51: {  	_ =	shalt  }
0x52: {  	_ =	shalt  }
0x53: {  	_ =	shalt  }
0x54: {  	_ =	shalt  }
0x55: {  	_ =	shalt  }
0x56: {  	_ =	shalt  }
0x57: {  	_ =	shalt  }
0x58: {  	_ =	shalt  }
0x59: {  	_ =	shalt  }
0x5a: {  	_ =	shalt  }
0x5b: {  	_ =	shalt  }
0x5c: {  	_ =	shalt  }
0x5d: {  	_ =	shalt  }
0x5e: {  	_ =	shalt  }
0x5f: {  	_ =	shalt  }
0x60: {  	_ =	shalt  }
0x61: {  	_ =	shalt  }
0x62: {  	_ =	shalt  }
0x63: {  	_ =	shalt  }
0x64: {  	_ =	shalt  }
0x65: {  	_ =	shalt  }
0x66: {  	_ =	shalt  }
0x67: {  	_ =	shalt  }
0x68: {  	_ =	shalt  }
0x69: {  	_ =	shalt  }
0x6a: {  	_ =	shalt  }
0x6b: {  	_ =	shalt  }
0x6c: {  	_ =	shalt  }
0x6d: {  	_ =	shalt  }
0x6e: {  	_ =	shalt  }
0x6f: {  	_ =	shalt  }
0x70: {  	_ =	shalt  }
0x71: {  	_ =	shalt  }
0x72: {  	_ =	shalt  }
0x73: {  	_ =	shalt  }
0x74: {  	_ =	shalt  }
0x75: {  	_ =	shalt  }
0x76: {  	_ =	shalt  }
0x77: {  	_ =	shalt  }
0x78: {  	_ =	shalt  }
0x79: {  	_ =	shalt  }
0x7a: {  	_ =	shalt  }
0x7b: {  	_ =	shalt  }
0x7c: {  	_ =	shalt  }
0x7d: {  	_ =	shalt  }
0x7e: {  	_ =	shalt  }
0x7f: {  	_ =	shalt  }
0x80: {  	_ =	shalt  }
0x81: {  	_ =	shalt  }
0x82: {  	_ =	shalt  }
0x83: {  	_ =	shalt  }
0x84: {  	_ =	shalt  }
0x85: {  	_ =	shalt  }
0x86: {  	_ =	shalt  }
0x87: {  	_ =	shalt  }
.Lfunc_end0:
.L_simem_size_0:
called_computation_lowered:
.L_overlay_start_0:
0x88: {  	s2 =	sld [smem:$0x3FD9]  }
0x89: {  	s3 =	sld [smem:$0x3FFE];
	_ =	sdelay $0x1  }
0x8a: {  	s1 =	srdreg.scid  }
0x8b: {  	s0 =	sand.u32 $0x1, s1  }
0x8c: {  	s17 =	sshll.u32 s0, $0xA;
	s2 =	sadd.s32 s3, s2  }
0x8d: {  	s2 =	sadd.s32 s2, s17  }
0x8e: {  	[smem:$0x3FBC] =	sst s2  }
0x8f: {  	_ = 	snop  }
0x90: {  	s2 =	sld [smem:$0x3FC7]  }
0x91: {  	s18 =	sld [smem:$0x3FD0];
	(tm) =	ssettm $0x1  }
0x92: {  	s4 =	sld [smem:$0x3FFB];
	_ =	sdelay $0x3  }
0x93: {  	_ =	strace s4  }
0x94: {  	s4 =	sld [smem:$0x3FFC];
	_ =	sdelay $0x3  }
0x95: {  	_ =	strace s4  }
0x96: {  	s4 =	sld [smem:$0x3FFD];
	_ =	sdelay $0x3  }
0x97: {  	_ =	strace s4  }
0x98: {  	_ =	strace $0x8FFFFFFF  }
0x99: {  	s19 =	sld [smem:$0x3FDB];
	_ =	sdelay $0x1  }
0x9a: {  	s5 =	simm.s32 $_scs_section_size  }
0x9b: {  	s6 =	simm.s32 $_size__tile_overlayer_lowered;
	s7 =	simm.s32 $_tile_overlayer_lowered  }
0x9c: {  	s22 =	simm.s32 $0x1BFF;
	s21 =	sshll.u32 s7, $0x1;
	s4 =	sadd.s32 s5, s19  }
0x9d: {  	s8 =	simm.s32 $0x0;
	s20 =	sshll.u32 s6, $0x1;
	s6 =	sadd.s32 s21, s4  }
0x9e: {  	[timem:s8], [sflag:s22] =	dma.local [hbm:s6], s20  }
0x9f: {  	_ =	swait.ge [sflag:s22], s20  }
0xa0: {  	s5 =	ssub.s32 $0x0, s20;
	[sflag:s22] =	ssyncset.done $0x0  }
0xa1: {  	[sflag:s22] =	ssyncadd.s32 s5;
	_ =	sdelay $0x1  }
0xa2: {  	s23 =	simm.s32 $0x1B8B  }
0xa3: {  	_ =	swait.ge [sflag:s23], $0x1  }
0xa4: {  	[sflag:s23] =	ssyncset.done $0x0  }
0xa5: {  	s25 =	simm.s32 $0x1B8E;
	s24 =	sld [smem:$0x3FFE];
	[sflag:s23] =	ssyncadd.s32 $0xFFFFFFFF  }
0xa6: {  	s26 =	simm.s32 $execute0_lowered;
	[smem:$0x3FD2] =	sst s25  }
0xa7: {  	s6 =	sshll.u32 s26, $0x1;
	_ =	strace $0x80000046;
	[dreg:$0x1] =	wrdreg $0xFFFFFFFF  }
0xa8: {  	s28 =	simm.s32 $_size_execute0_lowered;
	s4 =	sadd.s32 s4, s6;
	[dreg:$0x0] =	wrdreg $0x0  }
0xa9: {  	s6 =	sshll.u32 s28, $0x1;
	[dreg:$0x2] =	wrdreg s4  }
0xaa: {  	[dreg:$0x3] =	wrdreg s6  }
0xab: {  	[dreg:$0x4] =	wrdreg $0xC0  }
0xac: {  	_ =	task [dreg:s8], $0x5FFFF  }
0xad: {  	[dreg:$0x1] =	wrdreg $0xFFFFFFFF  }
0xae: {  	[dreg:$0x0] =	wrdreg $0x60  }
0xaf: {  	[dreg:$0x2] =	wrdreg s24  }
0xb0: {  	[dreg:$0x3] =	wrdreg s18  }
0xb1: {  	[dreg:$0x4] =	wrdreg s2  }
0xb2: {  	[dreg:$0x5] =	wrdreg $0x9  }
0xb3: {  	_ =	task.clear_ibuf [dreg:s8], $0x6FFFF;
	_ =	strace $0x90000046  }
0xb4: {  	s29 =	simm.s32 $0x9;
	_ =	strace $0x80000048  }
0xb5: {  	_ =	swait.ge [sflag:s29], $0x1  }
0xb6: {  	[sflag:s29] =	ssyncadd.s32 $0xFFFFFFFF  }
0xb7: {  	_ =	strace $0x90000048  }
0xb8: {  	_ =	sfence  }
0xb9: {  	s30 =	sld [smem:$0x0];
	_ =	sdelay $0x2  }
0xba: {  	s31 =	sshll.u32 s1, $0xD;
	s1 =	sshrl.u32 s1, $0x2  }
0xbb: {  	s3 =	sand.u32 $0x4000, s31;
	s1 =	sadd.s32 s1, s30  }
0xbc: {  	s0 =	sor.u32 s3, s0;
	s1 =	sshll.u32 s1, $0x11  }
0xbd: {  	s0 =	sor.u32 s1, s0  }
0xbe: {  	s0 =	sadd.s32 $0x8F2B, s0  }
0xbf: {  	[sflag:s0] =	ssyncadd.remote.s32 $0x1  }
0xc0: {  	_ =	sfence.sel $0xFFFF  }
0xc1: {  	[dreg:$0x0] =	wrdreg $0xFFFFFFFF;
	(pc) =	sbr.abs _section_cstart, $3  }
0xc2: {  	[dreg:$0x1] =	wrdreg $0xFFFFFFFF  }
0xc3: {  	_ =	task.clear_ibuf [dreg:s8], $0x2FFFF;
	_ =	strace $0x9FFFFFFF  }
0xc4: {  	(tm) =	ssettm $0x7FFFFFFF  }
0xc5: {  	_ =	shalt  }
tec
execute0_lowered:
.L_overlay_start_1:
0x0: {  	(tag) =	ssettag $0x1  }
0x1: {  	s5 =	rddreg [dreg:$0x0];
	s1 =	srdreg.scid  }
0x2: {  	s0 =	stileid.u32;
	s2 =	rddreg [dreg:$0x1]  }
0x3: {  	s3 =	rddreg [dreg:$0x2];
	s4 =	simm.s32 $0x0;
	s9 =	simm.s32 $0x1  }
0x4: {  	s10 =	simm.s32 $0x14000;
	s11 =	simm.s32 $0x17E80;
	s12 =	simm.s32 $0xA000  }
0x5: {  	s6 =	sand.u32 $0x1, s1;
	s31 =	sshll.u32 s0, $0x1;
	s1 =	rddreg [dreg:$0x3]  }
0x6: {  	s13 =	simm.s32 $0x1BD00;
	[smem:$0x7FF] =	sst s4;
	s14 =	sor.u32 s6, s31  }
0x7: {  	s6 =	ssub.s32 $0x2, s6;
	_ =	strace $0x80000047;
	s7 =	smul.u32 $0x1400, s14  }
0x8: {  	s8 =	sshrl.u32 s6, $0x1;
	p0 =	sne.s32 s14, $0x0;
	s14 =	simm.s32 $0x0  }
0x9: {  	s8 =	ssub.s32 s6, s8;
	s7 =	sadd.s32 s7, s5;
	s5 =	sadd.s32 $0x52800, s5  }
0xa: {  	v0 =	vimm.f32 $0.0e+00;
	s8 =	smax.u32 s8, $0x1;
	s6 =	sadd.s32 $0x2800, s7;
	s7 =	sadd.s32 $0x2A800, s7  }
.LBB2_1:
0xb: {  	[tilespmem:s4], [sflag:$0x1] =	stream.linear.gather [hbm4b:s6+s4], $0xA000, $0x38;
	[tilespmem:$0x1E500] =	vst v63  }
0xc: {  	_ =	swait.ge [sflag:s9], $0xA000  }
0xd: {  	[sflag:s9] =	ssyncset.done $0x0  }
0xe: {  	s16 =	simm.s32 $0xA040;
	[sflag:s9] =	ssyncadd.s32 $0xFFFF6000  }
0xf: {  	[tilespmem:s16+$0xFFFFFFC0] =	vst v0  }
0x10: {  	[tilespmem:s16+$0x30] =	vst v0  }
0x11: {  	[tilespmem:s16+$0x20] =	vst v0  }
0x12: {  	[tilespmem:s16+$0x10] =	vst v0  }
0x13: {  	[tilespmem:s16+$0x0] =	vst v0  }
0x14: {  	[tilespmem:s16+$0xFFFFFFF0] =	vst v0  }
0x15: {  	s17 =	simm.s32 $0x0;
	[tilespmem:s16+$0xFFFFFFE0] =	vst v0  }
.LBB2_2:
0x16: {  	s17 =	sadd.s32 $0x8, s17;
	[tilespmem:s16+$0xFFFFFFD0] =	vst v0;
	s16 =	sadd.s32 $0x80, s16;
	s15 =	simm.s32 $0x1BD40  }
0x17: {  	[tilespmem:s16+$0xFFFFFFC0] =	vst v0;
	p1 =	slt.u32 s17, $0x9F8  }
0x18: {  	[tilespmem:s16+$0x30] =	vst v0  }
.Ltmp0:
0x19: {  	[tilespmem:s16+$0x20] =	vst v0;
	(pc) =	sbr.rel @p1 .LBB2_2-.Ltmp0, $4  }
0x1a: {  	[tilespmem:s16+$0x10] =	vst v0  }
0x1b: {  	[tilespmem:s16+$0x0] =	vst v0  }
0x1c: {  	[tilespmem:s16+$0xFFFFFFF0] =	vst v0  }
0x1d: {  	[tilespmem:s16+$0xFFFFFFE0] =	vst v0  }
0x1e: {  	[tilespmem:s16+$0xFFFFFFD0] =	vst v0  }
0x1f: {  	[tilespmem:s15+$0xFFFFFFC0] =	vst v0  }
0x20: {  	[tilespmem:s15+$0x30] =	vst v0  }
0x21: {  	[tilespmem:s15+$0x20] =	vst v0  }
0x22: {  	[tilespmem:s15+$0x10] =	vst v0  }
0x23: {  	[tilespmem:s15+$0x0] =	vst v0  }
0x24: {  	[tilespmem:s15+$0xFFFFFFF0] =	vst v0  }
0x25: {  	s16 =	simm.s32 $0x0;
	[tilespmem:s15+$0xFFFFFFE0] =	vst v0  }
.LBB2_4:
0x26: {  	s16 =	sadd.s32 $0x8, s16;
	[tilespmem:s15+$0xFFFFFFD0] =	vst v0;
	s15 =	sadd.s32 $0x80, s15  }
0x27: {  	[tilespmem:s15+$0xFFFFFFC0] =	vst v0;
	p1 =	slt.u32 s16, $0x278  }
0x28: {  	[tilespmem:s15+$0x30] =	vst v0  }
.Ltmp1:
0x29: {  	[tilespmem:s15+$0x20] =	vst v0;
	(pc) =	sbr.rel @p1 .LBB2_4-.Ltmp1, $4  }
0x2a: {  	[tilespmem:s15+$0x10] =	vst v0  }
0x2b: {  	[tilespmem:s15+$0x0] =	vst v0  }
0x2c: {  	[tilespmem:s15+$0xFFFFFFF0] =	vst v0  }
0x2d: {  	[tilespmem:s15+$0xFFFFFFE0] =	vst v0  }
0x2e: {  	[tilespmem:s15+$0xFFFFFFD0] =	vst v0;
	s15 =	simm.s32 $0x0  }
.LBB2_6:
0x2f: {  	s16 =	smul.u32 $0x7D0, s15;
	_ =	sdelay $0x1  }
0x30: {  	s17 =	sadd.s32 s2, s16  }
0x31: {  	[tilespmem:s10], [sflag:$0x1] =	stream.linear.gather [hbm4b:s17+s4], $0x3E80, $0x38;
	[tilespmem:$0x1E500] =	vst v63  }
0x32: {  	_ =	swait.ge [sflag:s9], $0x3E80  }
0x33: {  	[sflag:s9] =	ssyncset.done $0x0  }
0x34: {  	s16 =	sadd.s32 s3, s16;
	[sflag:s9] =	ssyncadd.s32 $0xFFFFC180  }
0x35: {  	[tilespmem:s11], [sflag:$0x1] =	stream.linear.gather [hbm4b:s16+s4], $0x3E80, $0x38;
	[tilespmem:$0x1E500] =	vst v63  }
0x36: {  	_ =	swait.ge [sflag:s9], $0x3E80  }
0x37: {  	[sflag:s9] =	ssyncset.done $0x0  }
0x38: {  	s30 =	simm.s32 $0x14020;
	[sflag:s9] =	ssyncadd.s32 $0xFFFFC180  }
0x39: {  	v1 =	vld [tilespmem:s30+$0xFFFFFFE0]  }
0x3a: {  	v3 =	vld [tilespmem:s30+$0x0];
	_ =	sdelay $0x1  }
0x3b: {  	v2 =	vld [tilespmem:s30+$0x10];
	_ =	sdelay $0x1  }
0x3c: {  	v8 =	vld [tilespmem:s30+$0xFFFFFFF0];
	v4 =	vand.u32 $0x3FFF, v1  }
0x3d: {  	v15 =	vand.u32 $0x3FFF, v3  }
0x3e: {  	s31 =	simm.s32 $0x17EA0  }
0x3f: {  	v11 =	vld [tilespmem:s31+$0xFFFFFFE0];
	v14 =	vand.u32 $0x3FFF, v2  }
0x40: {  	v5 =	vld [tilespmem:s31+$0x0]  }
0x41: {  	v17 =	vand.u32 $0x3FFF, v8;
	v6 =	vadd.s32 $0x2800, v4;
	v7 =	vld.idx.msk [tilespmem:v4+s4+$0x0], $0xffff  }
0x42: {  	v18 =	vand.u32 $0x7F, v1;
	v9 =	vand.u32 $0x7F80, v6;
	v16 =	vld.idx.msk [tilespmem:v15+s4+$0x0], $0xffff  }
0x43: {  	v12 =	vshrl.u32 v1, $0xE;
	v6 =	vld [tilespmem:s31+$0x10];
	v13 =	vor.u32 v18, v9;
	v9 =	vadd.s32 $0x2800, v14  }
0x44: {  	v20 =	vand.u32 $0x7F80, v9;
	v9 =	vshrl.u32 v3, $0xE;
	v10 =	vld.idx.msk [tilespmem:v14+s4+$0x0], $0xffff  }
0x45: {  	v1 =	vld [tilespmem:s31+$0xFFFFFFF0];
	v22 =	vand.u32 $0x7F, v2  }
0x46: {  	s16 =	simm.s32 $0x17EE0;
	v21 =	vld.idx.msk [tilespmem:v17+s4+$0x0], $0xffff;
	v19 =	vmul.f32 v7, v11;
	v7 =	vshrl.u32 v2, $0xE;
	v2 =	vadd.s32 $0x2800, v15  }
0x47: {  	v24 =	vand.u32 $0x7F, v3;
	v16 =	vmul.f32 v16, v5;
	v25 =	vand.u32 $0x7F80, v2;
	v2 =	vld [tilespmem:s16+$0xFFFFFFF0]  }
0x48: {  	v26 =	vand.u32 $0x7F, v8;
	v23 =	vadd.s32 $0x5000, v4;
	v3 =	vshrl.u32 v8, $0xE;
	[tilespmem:v12+s12+$0x0] =	vst.idx.add.f32.msk $0xffff, v19  }
0x49: {  	v8 =	vadd.s32 $0x2800, v12;
	v10 =	vmul.f32 v10, v6;
	v19 =	vor.u32 v22, v20;
	[tilespmem:v9+s12+$0x0] =	vst.idx.add.f32.msk $0xffff, v16  }
0x4a: {  	s17 =	simm.s32 $0x14060;
	v20 =	vadd.s32 $0x2800, v17;
	v25 =	vor.u32 v24, v25;
	v16 =	vadd.s32 $0x7800, v4;
	v13 =	vld.idx.msk [tilespmem:v13+s4+$0x0], $0xffff  }
0x4b: {  	v4 =	vand.u32 $0x7FF80, v8;
	v20 =	vand.u32 $0x7F80, v20;
	v35 =	vand.u32 $0xFF80, v16;
	v16 =	vld [tilespmem:s17+$0xFFFFFFE0]  }
0x4c: {  	v20 =	vor.u32 v26, v20;
	[tilespmem:v7+s12+$0x0] =	vst.idx.add.f32.msk $0xffff, v10;
	v10 =	vmul.f32 v21, v1;
	v21 =	vand.u32 $0x7F, v12  }
0x4d: {  	v29 =	vadd.s32 $0x5000, v14;
	v27 =	vor.u32 v21, v4;
	v4 =	vld [tilespmem:s16+$0xFFFFFFE0]  }
0x4e: {  	v33 =	vadd.s32 $0x5000, v17;
	v29 =	vand.u32 $0xFF80, v29;
	v8 =	vand.u32 $0xFF80, v23;
	v19 =	vld.idx.msk [tilespmem:v19+s4+$0x0], $0xffff  }
0x4f: {  	v29 =	vor.u32 v22, v29;
	v23 =	vadd.s32 $0x2800, v7;
	[tilespmem:v3+s12+$0x0] =	vst.idx.add.f32.msk $0xffff, v10;
	v10 =	vor.u32 v18, v8  }
0x50: {  	v32 =	vadd.s32 $0x2800, v9;
	v8 =	vand.u32 $0x7FF80, v23;
	v23 =	vand.u32 $0x7F, v7;
	v25 =	vld.idx.msk [tilespmem:v25+s4+$0x0], $0xffff  }
0x51: {  	v30 =	vor.u32 v23, v8;
	v8 =	vadd.s32 $0x5000, v15;
	v13 =	vmul.f32 v13, v11;
	v20 =	vld.idx.msk [tilespmem:v20+s4+$0x0], $0xffff  }
0x52: {  	v54 =	vand.u32 $0x7F, v9;
	v32 =	vand.u32 $0x7FF80, v32;
	v31 =	vand.u32 $0xFF80, v8;
	v8 =	vld [tilespmem:s16+$0x0]  }
0x53: {  	v32 =	vor.u32 v54, v32;
	v31 =	vor.u32 v24, v31;
	[tilespmem:v27+s12+$0x0] =	vst.idx.add.f32.msk $0xffff, v13;
	v13 =	vadd.s32 $0x2800, v3  }
0x54: {  	v19 =	vmul.f32 v19, v6;
	v34 =	vld.idx.msk [tilespmem:v10+s4+$0x0], $0xffff;
	v10 =	vand.u32 $0x7FF80, v13;
	v13 =	vand.u32 $0x7F, v3  }
0x55: {  	v28 =	vadd.s32 $0x5000, v12;
	v33 =	vand.u32 $0xFF80, v33;
	v56 =	vor.u32 v13, v10;
	v10 =	vld [tilespmem:s17+$0xFFFFFFF0]  }
0x56: {  	v33 =	vor.u32 v26, v33;
	v25 =	vmul.f32 v25, v5;
	[tilespmem:v30+s12+$0x0] =	vst.idx.add.f32.msk $0xffff, v19;
	v19 =	vand.u32 $0x7FF80, v28  }
0x57: {  	v14 =	vadd.s32 $0x7800, v14;
	v55 =	vadd.s32 $0x5000, v7;
	v19 =	vor.u32 v21, v19;
	v29 =	vld.idx.msk [tilespmem:v29+s4+$0x0], $0xffff  }
0x58: {  	v18 =	vor.u32 v18, v35;
	v28 =	vand.u32 $0x7FF80, v55;
	v20 =	vmul.f32 v20, v1;
	[tilespmem:v32+s12+$0x0] =	vst.idx.add.f32.msk $0xffff, v25  }
0x59: {  	v14 =	vand.u32 $0xFF80, v14;
	v57 =	vor.u32 v23, v28;
	v31 =	vld.idx.msk [tilespmem:v31+s4+$0x0], $0xffff  }
0x5a: {  	v59 =	vadd.s32 $0x5000, v9;
	v14 =	vor.u32 v22, v14;
	v58 =	vmul.f32 v34, v11;
	[tilespmem:v56+s12+$0x0] =	vst.idx.add.f32.msk $0xffff, v20  }
0x5b: {  	v15 =	vadd.s32 $0x7800, v15;
	v20 =	vand.u32 $0x7FF80, v59;
	v60 =	vld.idx.msk [tilespmem:v33+s4+$0x0], $0xffff  }
0x5c: {  	v15 =	vand.u32 $0xFF80, v15;
	[tilespmem:v19+s12+$0x0] =	vst.idx.add.f32.msk $0xffff, v58;
	v19 =	vor.u32 v54, v20;
	v20 =	vmul.f32 v29, v6  }
0x5d: {  	v22 =	vadd.s32 $0x7800, v12;
	v15 =	vor.u32 v24, v15;
	v18 =	vld.idx.msk [tilespmem:v18+s4+$0x0], $0xffff  }
0x5e: {  	v22 =	vand.u32 $0x7FF80, v22;
	[tilespmem:v57+s12+$0x0] =	vst.idx.add.f32.msk $0xffff, v20  }
0x5f: {  	v21 =	vor.u32 v21, v22;
	v22 =	vmul.f32 v31, v5;
	v20 =	vadd.s32 $0x5000, v3;
	v25 =	vld.idx.msk [tilespmem:v14+s4+$0x0], $0xffff  }
0x60: {  	v61 =	vadd.s32 $0x7800, v7;
	v14 =	vld [tilespmem:s17+$0x10];
	v20 =	vand.u32 $0x7FF80, v20  }
0x61: {  	v17 =	vadd.s32 $0x7800, v17;
	v62 =	vor.u32 v13, v20;
	[tilespmem:v19+s12+$0x0] =	vst.idx.add.f32.msk $0xffff, v22;
	v19 =	vand.u32 $0x7FF80, v61  }
0x62: {  	v17 =	vand.u32 $0xFF80, v17;
	v20 =	vmul.f32 v18, v11;
	v15 =	vld.idx.msk [tilespmem:v15+s4+$0x0], $0xffff;
	v23 =	vor.u32 v23, v19  }
0x63: {  	v22 =	vor.u32 v26, v17;
	v19 =	vadd.s32 $0x7800, v9;
	v18 =	vld [tilespmem:s17+$0x0]  }
0x64: {  	v24 =	vmul.f32 v60, v1;
	v17 =	vand.u32 $0x3FFF, v16;
	v19 =	vand.u32 $0x7FF80, v19;
	[tilespmem:v21+s12+$0x0] =	vst.idx.add.f32.msk $0xffff, v20  }
0x65: {  	v20 =	vadd.s32 $0x2800, v17;
	v25 =	vmul.f32 v25, v6;
	v21 =	vor.u32 v54, v19;
	[tilespmem:v12+s13+$0x0] =	vst.idx.add.f32.msk $0xffff, v11  }
0x66: {  	v63 =	vadd.s32 $0x7800, v3;
	v20 =	vand.u32 $0x7F80, v20;
	v12 =	vadd.s32 $0x5000, v17;
	[tilespmem:v62+s12+$0x0] =	vst.idx.add.f32.msk $0xffff, v24  }
0x67: {  	s18 =	simm.s32 $0x4;
	v11 =	vadd.s32 $0x7800, v17;
	v19 =	vand.u32 $0xFF80, v12;
	v12 =	vand.u32 $0x7FF80, v63;
	[tilespmem:v23+s12+$0x0] =	vst.idx.add.f32.msk $0xffff, v25  }
.LBB2_7:
0x68: {  	s18 =	sadd.s32 $0x4, s18;
	v22 =	vld.idx.msk [tilespmem:v22+s4+$0x0], $0xffff;
	v13 =	vor.u32 v13, v12;
	v15 =	vmul.f32 v15, v5  }
0x69: {  	v12 =	vshrl.u32 v16, $0xE;
	p1 =	slt.u32 s18, $0x3E4;
	v23 =	vld.idx.msk [tilespmem:v17+s4+$0x0], $0xffff;
	v17 =	vand.u32 $0x7F, v16;
	v16 =	vand.u32 $0x3FFF, v14  }
0x6a: {  	v24 =	vand.u32 $0x3FFF, v18;
	v25 =	vand.u32 $0x7F, v18;
	v26 =	vadd.s32 $0x2800, v16;
	[tilespmem:v21+s12+$0x0] =	vst.idx.add.f32.msk $0xffff, v15  }
0x6b: {  	v27 =	vand.u32 $0x3FFF, v10;
	v28 =	vadd.s32 $0x5000, v24;
	v21 =	vadd.s32 $0x5000, v12;
	[tilespmem:v9+s13+$0x0] =	vst.idx.add.f32.msk $0xffff, v5;
	v5 =	vmovc v8  }
0x6c: {  	v15 =	vand.u32 $0x7F, v12;
	v8 =	vadd.s32 $0x2800, v27;
	v9 =	vadd.s32 $0x2800, v24;
	v29 =	vld [tilespmem:s16+$0x10]  }
0x6d: {  	v28 =	vand.u32 $0xFF80, v28;
	v8 =	vand.u32 $0x7F80, v8;
	v9 =	vand.u32 $0x7F80, v9;
	[tilespmem:v7+s13+$0x0] =	vst.idx.add.f32.msk $0xffff, v6  }
0x6e: {  	v26 =	vand.u32 $0x7F80, v26;
	v6 =	vadd.s32 $0x5000, v16;
	v22 =	vmul.f32 v22, v1;
	v30 =	vld.idx.msk [tilespmem:v16+s4+$0x0], $0xffff  }
0x6f: {  	v31 =	vadd.s32 $0x5000, v27;
	v20 =	vor.u32 v17, v20;
	v33 =	vand.u32 $0xFF80, v6;
	v32 =	vld.idx.msk [tilespmem:v24+s4+$0x0], $0xffff  }
0x70: {  	v37 =	vadd.s32 $0x2800, v12;
	v19 =	vor.u32 v17, v19;
	v23 =	vmul.f32 v23, v4;
	v34 =	vld.idx.msk [tilespmem:v27+s4+$0x0], $0xffff  }
0x71: {  	v35 =	vand.u32 $0x7FF80, v37;
	v36 =	vor.u32 v25, v9;
	v7 =	vshrl.u32 v14, $0xE;
	[tilespmem:v13+s12+$0x0] =	vst.idx.add.f32.msk $0xffff, v22;
	v6 =	vmovc v29  }
0x72: {  	v9 =	vshrl.u32 v18, $0xE;
	v14 =	vand.u32 $0x7F, v14;
	v13 =	vadd.s32 $0x2800, v7;
	[tilespmem:v12+s12+$0x0] =	vst.idx.add.f32.msk $0xffff, v23  }
0x73: {  	v18 =	vadd.s32 $0x2800, v9;
	v22 =	vadd.s32 $0x5000, v9;
	v23 =	vor.u32 v14, v26;
	[tilespmem:v3+s13+$0x0] =	vst.idx.add.f32.msk $0xffff, v1;
	v1 =	vmovc v2  }
0x74: {  	s16 =	sadd.s32 $0x40, s16;
	v18 =	vand.u32 $0x7FF80, v18;
	v3 =	vshrl.u32 v10, $0xE;
	v26 =	vmul.f32 v30, v6;
	v20 =	vld.idx.msk [tilespmem:v20+s4+$0x0], $0xffff  }
0x75: {  	v29 =	vand.u32 $0x7F, v10;
	v10 =	vadd.s32 $0x2800, v3;
	v30 =	vmul.f32 v32, v5;
	v2 =	vld [tilespmem:s16+$0xFFFFFFF0]  }
0x76: {  	v8 =	vor.u32 v29, v8;
	v32 =	vmul.f32 v34, v1;
	v10 =	vand.u32 $0x7FF80, v10;
	[tilespmem:v7+s12+$0x0] =	vst.idx.add.f32.msk $0xffff, v26  }
0x77: {  	v22 =	vand.u32 $0x7FF80, v22;
	v13 =	vand.u32 $0x7FF80, v13;
	v26 =	vadd.s32 $0x5000, v3;
	[tilespmem:v9+s12+$0x0] =	vst.idx.add.f32.msk $0xffff, v30  }
0x78: {  	v21 =	vand.u32 $0x7FF80, v21;
	v34 =	vadd.s32 $0x5000, v7;
	v30 =	vor.u32 v15, v35;
	v23 =	vld.idx.msk [tilespmem:v23+s4+$0x0], $0xffff  }
0x79: {  	v16 =	vadd.s32 $0x7800, v16;
	[tilespmem:v3+s12+$0x0] =	vst.idx.add.f32.msk $0xffff, v32;
	v32 =	vand.u32 $0x7FF80, v34;
	v34 =	vadd.s32 $0x7800, v7  }
0x7a: {  	v21 =	vor.u32 v15, v21;
	v37 =	vand.u32 $0x7F, v7;
	v16 =	vand.u32 $0xFF80, v16;
	v35 =	vld [tilespmem:s16+$0xFFFFFFE0]  }
0x7b: {  	v39 =	vor.u32 v14, v16;
	v38 =	vor.u32 v37, v13;
	v32 =	vor.u32 v37, v32;
	v36 =	vld.idx.msk [tilespmem:v36+s4+$0x0], $0xffff  }
0x7c: {  	v28 =	vor.u32 v25, v28;
	v24 =	vadd.s32 $0x7800, v24;
	v16 =	vmul.f32 v20, v4;
	v20 =	vld.idx.msk [tilespmem:v8+s4+$0x0], $0xffff  }
0x7d: {  	v24 =	vand.u32 $0xFF80, v24;
	v14 =	vor.u32 v14, v33;
	v13 =	vand.u32 $0x7F, v3;
	v8 =	vld [tilespmem:s16+$0x0]  }
0x7e: {  	v33 =	vand.u32 $0x7F, v9;
	[tilespmem:v30+s12+$0x0] =	vst.idx.add.f32.msk $0xffff, v16;
	v30 =	vor.u32 v13, v10;
	v10 =	vmul.f32 v23, v6  }
0x7f: {  	v18 =	vor.u32 v33, v18;
	v22 =	vor.u32 v33, v22;
	v23 =	vor.u32 v25, v24;
	v19 =	vld.idx.msk [tilespmem:v19+s4+$0x0], $0xffff  }
0x80: {  	s17 =	sadd.s32 $0x40, s17;
	v16 =	vand.u32 $0xFF80, v31;
	v24 =	vadd.s32 $0x7800, v3;
	v25 =	vadd.s32 $0x7800, v9;
	[tilespmem:v38+s12+$0x0] =	vst.idx.add.f32.msk $0xffff, v10  }
0x81: {  	v31 =	vadd.s32 $0x7800, v12;
	v38 =	vor.u32 v29, v16;
	v36 =	vmul.f32 v36, v5;
	v10 =	vld [tilespmem:s17+$0xFFFFFFF0]  }
0x82: {  	v11 =	vand.u32 $0xFF80, v11;
	v27 =	vadd.s32 $0x7800, v27;
	v14 =	vld.idx.msk [tilespmem:v14+s4+$0x0], $0xffff  }
0x83: {  	v11 =	vor.u32 v17, v11;
	v16 =	vld [tilespmem:s17+$0xFFFFFFE0]  }
0x84: {  	v17 =	vmul.f32 v20, v1;
	[tilespmem:v18+s12+$0x0] =	vst.idx.add.f32.msk $0xffff, v36  }
0x85: {  	v18 =	vmul.f32 v19, v4;
	v19 =	vld.idx.msk [tilespmem:v28+s4+$0x0], $0xffff  }
0x86: {  	[tilespmem:v30+s12+$0x0] =	vst.idx.add.f32.msk $0xffff, v17  }
0x87: {  	[tilespmem:v21+s12+$0x0] =	vst.idx.add.f32.msk $0xffff, v18  }
0x88: {  	v14 =	vmul.f32 v14, v6;
	v11 =	vld.idx.msk [tilespmem:v11+s4+$0x0], $0xffff  }
0x89: {  	v20 =	vld.idx.msk [tilespmem:v38+s4+$0x0], $0xffff  }
0x8a: {  	v17 =	vand.u32 $0x7FF80, v31;
	[tilespmem:v32+s12+$0x0] =	vst.idx.add.f32.msk $0xffff, v14  }
0x8b: {  	v21 =	vor.u32 v15, v17;
	v15 =	vmul.f32 v19, v5;
	v19 =	vld.idx.msk [tilespmem:v39+s4+$0x0], $0xffff  }
0x8c: {  	v17 =	vand.u32 $0x7FF80, v26;
	v14 =	vld [tilespmem:s17+$0x10]  }
0x8d: {  	v26 =	vor.u32 v13, v17;
	v17 =	vand.u32 $0x7FF80, v34;
	[tilespmem:v22+s12+$0x0] =	vst.idx.add.f32.msk $0xffff, v15  }
0x8e: {  	v11 =	vmul.f32 v11, v4;
	v22 =	vand.u32 $0xFF80, v27;
	v15 =	vld.idx.msk [tilespmem:v23+s4+$0x0], $0xffff;
	v23 =	vor.u32 v37, v17  }
.Ltmp2:
0x8f: {  	v22 =	vor.u32 v29, v22;
	v18 =	vld [tilespmem:s17+$0x0];
	(pc) =	sbr.rel @p1 .LBB2_7-.Ltmp2, $4  }
0x90: {  	v17 =	vand.u32 $0x3FFF, v16;
	v27 =	vmul.f32 v20, v1;
	[tilespmem:v21+s12+$0x0] =	vst.idx.add.f32.msk $0xffff, v11;
	v11 =	vand.u32 $0x7FF80, v25  }
0x91: {  	v20 =	vadd.s32 $0x2800, v17;
	v25 =	vmul.f32 v19, v6;
	[tilespmem:v12+s13+$0x0] =	vst.idx.add.f32.msk $0xffff, v4;
	v21 =	vor.u32 v33, v11  }
0x92: {  	v20 =	vand.u32 $0x7F80, v20;
	v12 =	vadd.s32 $0x5000, v17;
	v11 =	vadd.s32 $0x7800, v17;
	v4 =	vmovc v35;
	[tilespmem:v26+s12+$0x0] =	vst.idx.add.f32.msk $0xffff, v27  }
0x93: {  	v19 =	vand.u32 $0xFF80, v12;
	v12 =	vand.u32 $0x7FF80, v24;
	[tilespmem:v23+s12+$0x0] =	vst.idx.add.f32.msk $0xffff, v25  }
0x94: {  	_ =	sdelay $0x2  }
0x95: {  	v23 =	vand.u32 $0x3FFF, v14  }
0x96: {  	v22 =	vld.idx.msk [tilespmem:v22+s4+$0x0], $0xffff;
	v24 =	vand.u32 $0x3FFF, v18  }
0x97: {  	v15 =	vmul.f32 v15, v5;
	v45 =	vld.idx.msk [tilespmem:v17+s4+$0x0], $0xffff  }
0x98: {  	v12 =	vor.u32 v13, v12;
	v27 =	vld [tilespmem:s16+$0x10]  }
0x99: {  	v17 =	vshrl.u32 v16, $0xE;
	v46 =	vand.u32 $0x7F, v16;
	[tilespmem:v21+s12+$0x0] =	vst.idx.add.f32.msk $0xffff, v15;
	v15 =	vand.u32 $0x3FFF, v10  }
0x9a: {  	v13 =	vshrl.u32 v14, $0xE;
	v50 =	vand.u32 $0x7F, v14;
	v35 =	vshrl.u32 v10, $0xE;
	v30 =	vld.idx.msk [tilespmem:v23+s4+$0x0], $0xffff  }
0x9b: {  	v11 =	vand.u32 $0xFF80, v11;
	v25 =	vadd.s32 $0x2800, v23;
	v20 =	vor.u32 v46, v20;
	v33 =	vld.idx.msk [tilespmem:v24+s4+$0x0], $0xffff  }
0x9c: {  	[tilespmem:v7+s13+$0x0] =	vst.idx.add.f32.msk $0xffff, v6;
	v31 =	vand.u32 $0x7F, v17;
	v32 =	vadd.s32 $0x2800, v24;
	v21 =	vand.u32 $0x7F, v18  }
0x9d: {  	v25 =	vand.u32 $0x7F80, v25;
	v18 =	vshrl.u32 v18, $0xE;
	[tilespmem:v9+s13+$0x0] =	vst.idx.add.f32.msk $0xffff, v5;
	v48 =	vmul.f32 v45, v4  }
0x9e: {  	v34 =	vadd.s32 $0x5000, v23;
	v47 =	vand.u32 $0x7F80, v32;
	v51 =	vor.u32 v50, v25;
	v49 =	vld.idx.msk [tilespmem:v15+s4+$0x0], $0xffff  }
0x9f: {  	v52 =	vadd.s32 $0x2800, v17;
	v5 =	vor.u32 v21, v47;
	[tilespmem:v17+s12+$0x0] =	vst.idx.add.f32.msk $0xffff, v48;
	v30 =	vmul.f32 v30, v27  }
0xa0: {  	v57 =	vor.u32 v46, v19;
	v58 =	vadd.s32 $0x2800, v13;
	v20 =	vld.idx.msk [tilespmem:v20+s4+$0x0], $0xffff;
	v54 =	vmul.f32 v33, v8  }
0xa1: {  	v53 =	vand.u32 $0x7FF80, v52;
	v10 =	vand.u32 $0x7F, v10;
	v29 =	vadd.s32 $0x2800, v15;
	[tilespmem:v13+s12+$0x0] =	vst.idx.add.f32.msk $0xffff, v30  }
0xa2: {  	v19 =	vand.u32 $0x7FF80, v58;
	v6 =	vor.u32 v31, v53;
	v29 =	vand.u32 $0x7F80, v29;
	[tilespmem:v18+s12+$0x0] =	vst.idx.add.f32.msk $0xffff, v54  }
0xa3: {  	v59 =	vadd.s32 $0x2800, v18;
	v22 =	vmul.f32 v22, v1;
	v29 =	vor.u32 v10, v29;
	v9 =	vld.idx.msk [tilespmem:v51+s4+$0x0], $0xffff  }
0xa4: {  	v62 =	vand.u32 $0x7F, v18;
	v56 =	vmul.f32 v49, v2;
	v30 =	vand.u32 $0x7F, v13;
	v5 =	vld.idx.msk [tilespmem:v5+s4+$0x0], $0xffff  }
0xa5: {  	v32 =	vand.u32 $0x7FF80, v59;
	[tilespmem:v12+s12+$0x0] =	vst.idx.add.f32.msk $0xffff, v22;
	v20 =	vmul.f32 v20, v4;
	v19 =	vor.u32 v30, v19  }
0xa6: {  	v28 =	vadd.s32 $0x5000, v24;
	v60 =	vand.u32 $0xFF80, v34;
	v32 =	vor.u32 v62, v32;
	[tilespmem:v35+s12+$0x0] =	vst.idx.add.f32.msk $0xffff, v56  }
0xa7: {  	v26 =	vadd.s32 $0x5000, v17;
	v28 =	vand.u32 $0xFF80, v28;
	v33 =	vor.u32 v50, v60;
	[tilespmem:v6+s12+$0x0] =	vst.idx.add.f32.msk $0xffff, v20  }
0xa8: {  	v61 =	vadd.s32 $0x2800, v35;
	v28 =	vor.u32 v21, v28;
	v29 =	vld.idx.msk [tilespmem:v29+s4+$0x0], $0xffff;
	v9 =	vmul.f32 v9, v27  }
0xa9: {  	v36 =	vand.u32 $0x7F, v35;
	v34 =	vand.u32 $0x7FF80, v61;
	v7 =	vld.idx.msk [tilespmem:v57+s4+$0x0], $0xffff;
	v5 =	vmul.f32 v5, v8  }
0xaa: {  	v39 =	vand.u32 $0x7FF80, v26;
	v55 =	vadd.s32 $0x5000, v15;
	v41 =	vor.u32 v36, v34;
	[tilespmem:v19+s12+$0x0] =	vst.idx.add.f32.msk $0xffff, v9  }
0xab: {  	v40 =	vadd.s32 $0x5000, v13;
	v25 =	vand.u32 $0xFF80, v55;
	v12 =	vor.u32 v31, v39;
	[tilespmem:v32+s12+$0x0] =	vst.idx.add.f32.msk $0xffff, v5  }
0xac: {  	v11 =	vor.u32 v46, v11;
	v42 =	vand.u32 $0x7FF80, v40;
	v43 =	vor.u32 v10, v25;
	v44 =	vld.idx.msk [tilespmem:v33+s4+$0x0], $0xffff  }
0xad: {  	v63 =	vadd.s32 $0x5000, v18;
	v23 =	vadd.s32 $0x7800, v23;
	v45 =	vmul.f32 v29, v2;
	v47 =	vld.idx.msk [tilespmem:v28+s4+$0x0], $0xffff  }
0xae: {  	v20 =	vand.u32 $0x7FF80, v63;
	v9 =	vor.u32 v30, v42;
	v7 =	vmul.f32 v7, v4  }
0xaf: {  	v46 =	vand.u32 $0xFF80, v23;
	v48 =	vadd.s32 $0x7800, v24;
	v49 =	vor.u32 v62, v20;
	[tilespmem:v41+s12+$0x0] =	vst.idx.add.f32.msk $0xffff, v45  }
0xb0: {  	v14 =	vand.u32 $0xFF80, v48;
	v5 =	vor.u32 v50, v46;
	[tilespmem:v12+s12+$0x0] =	vst.idx.add.f32.msk $0xffff, v7  }
0xb1: {  	v51 =	vor.u32 v21, v14;
	v50 =	vadd.s32 $0x5000, v35;
	v19 =	vld.idx.msk [tilespmem:v43+s4+$0x0], $0xffff;
	v52 =	vmul.f32 v44, v27  }
0xb2: {  	v15 =	vadd.s32 $0x7800, v15;
	v7 =	vand.u32 $0x7FF80, v50;
	v11 =	vld.idx.msk [tilespmem:v11+s4+$0x0], $0xffff;
	v54 =	vmul.f32 v47, v8  }
0xb3: {  	v53 =	vadd.s32 $0x7800, v17;
	v55 =	vand.u32 $0xFF80, v15;
	v7 =	vor.u32 v36, v7;
	[tilespmem:v9+s12+$0x0] =	vst.idx.add.f32.msk $0xffff, v52  }
0xb4: {  	v10 =	vor.u32 v10, v55;
	v56 =	vand.u32 $0x7FF80, v53;
	[tilespmem:v49+s12+$0x0] =	vst.idx.add.f32.msk $0xffff, v54  }
0xb5: {  	v15 =	vor.u32 v31, v56;
	v57 =	vadd.s32 $0x7800, v13;
	v5 =	vld.idx.msk [tilespmem:v5+s4+$0x0], $0xffff  }
0xb6: {  	v58 =	vadd.s32 $0x7800, v18;
	v14 =	vand.u32 $0x7FF80, v57;
	v59 =	vmul.f32 v19, v2;
	v12 =	vld.idx.msk [tilespmem:v51+s4+$0x0], $0xffff  }
0xb7: {  	[tilespmem:v3+s13+$0x0] =	vst.idx.add.f32.msk $0xffff, v1;
	v3 =	vand.u32 $0x7FF80, v58;
	v1 =	vor.u32 v30, v14  }
0xb8: {  	v3 =	vor.u32 v62, v3;
	v60 =	vmul.f32 v11, v4;
	[tilespmem:v7+s12+$0x0] =	vst.idx.add.f32.msk $0xffff, v59  }
0xb9: {  	v61 =	vadd.s32 $0x7800, v35;
	v7 =	vld.idx.msk [tilespmem:v10+s4+$0x0], $0xffff  }
0xba: {  	v6 =	vand.u32 $0x7FF80, v61;
	[tilespmem:v15+s12+$0x0] =	vst.idx.add.f32.msk $0xffff, v60;
	v5 =	vmul.f32 v5, v27  }
0xbb: {  	s15 =	sadd.s32 $0x1, s15;
	v62 =	vor.u32 v36, v6;
	[tilespmem:v17+s13+$0x0] =	vst.idx.add.f32.msk $0xffff, v4;
	v63 =	vmul.f32 v12, v8  }
0xbc: {  	p1 =	sne.s32 s15, $0x14;
	[tilespmem:v1+s12+$0x0] =	vst.idx.add.f32.msk $0xffff, v5  }
.Ltmp3:
0xbd: {  	[tilespmem:v3+s12+$0x0] =	vst.idx.add.f32.msk $0xffff, v63;
	(pc) =	sbr.rel @p1 .LBB2_6-.Ltmp3, $4  }
0xbe: {  	v1 =	vmul.f32 v7, v2;
	[tilespmem:v18+s13+$0x0] =	vst.idx.add.f32.msk $0xffff, v8  }
0xbf: {  	[tilespmem:v13+s13+$0x0] =	vst.idx.add.f32.msk $0xffff, v27  }
0xc0: {  	[tilespmem:v62+s12+$0x0] =	vst.idx.add.f32.msk $0xffff, v1  }
0xc1: {  	[tilespmem:v35+s13+$0x0] =	vst.idx.add.f32.msk $0xffff, v2  }
0xc2: {  	[hbm4b:s7+s4] =	stream.linear.scatter [tilespmem:s12], [sflag:$0x1], $0xA000, $0x38;
	[tilespmem:$0x1E500] =	vst v63  }
0xc3: {  	_ =	swait.ge [sflag:s9], $0xA000  }
0xc4: {  	s15 =	simm.s32 @!p0 $0x0;
	s14 =	sadd.s32 $0x1, s14;
	[sflag:s9] =	ssyncset.done $0x0  }
0xc5: {  	s16 =	simm.s32 @!p0 $0x1BD00;
	p1 =	sne.s32 s14, s8;
	[sflag:s9] =	ssyncadd.s32 $0xFFFF6000  }
0xc6: {  	[hbm4b:s5+s15] =	stream.linear.scatter @!p0 [tilespmem:s16], [sflag:$0x1], $0x2800, $0x38;
	[tilespmem:$0x1E500] =	vst v63  }
.Ltmp4:
0xc7: {  	_ = 	snop;
	(pc) =	sbr.rel @p1 .LBB2_1-.Ltmp4, $4  }
0xc8: {  	s15 =	simm.s32 @!p0 $0x1  }
0xc9: {  	_ =	swait.ge @!p0 [sflag:s15], $0x2800  }
0xca: {  	[sflag:s15] =	ssyncset.done @!p0 $0x0  }
0xcb: {  	[sflag:s15] =	ssyncadd.s32 @!p0 $0xFFFFD800  }
0xcc: {  	_ =	sfence.sel $0x180000  }
0xcd: {  	[bflag:$0x0] =	sbarrier.arrive $0xFFFF  }
0xce: {  	p0 =	sne.s32 s0, $0x0;
	_ =	strace $0x90000047  }
0xcf: {  	s0 =	sadd.s32 @!p0 $0x100000, s1;
	[bflag:$0x2] =	sbarrier.arrive $0xFFFF  }
0xd0: {  	[sflag:s0] =	ssyncadd.tile.s32 @!p0 $0x1;
	_ =	shalt  }
.Lfunc_end2:
_tile_overlayer_lowered:
.L_overlay_start_2:
0xd1: {  	(tag) =	ssettag $0x2  }
0xd2: {  	s0 =	rddreg [dreg:$0x0];
	s2 =	stileid.u32  }
0xd3: {  	s1 =	rddreg [dreg:$0x1];
	p0 =	sne.s32 s2, $0x0  }
0xd4: {  	s3 =	rddreg [dreg:$0x2];
	[bflag:$0x3] =	sbarrier.arrive $0xFFFF;
	s2 =	simm.s32 @!p0 $0x1C01  }
0xd5: {  	[timem:s3], [sflag:s2] =	dma.local @!p0 [hbm:s0], s1  }
0xd6: {  	s0 =	simm.s32 @!p0 $0x1  }
0xd7: {  	_ =	swait.ge @!p0 [sflag:s0], s1  }
0xd8: {  	s1 =	ssub.s32 @!p0 $0x0, s1;
	[sflag:s0] =	ssyncset.done @!p0 $0x0  }
0xd9: {  	[sflag:s0] =	ssyncadd.s32 @!p0 s1  }
0xda: {  	[bflag:$0x3] =	sbarrier.arrive $0xFFFF  }
0xdb: {  	_ =	shalt  }

</sc_bundles>
